<compile_context>
chip_gen: v7x
topology: tpu7x:2x2x1
jax: 0.10.2.dev20260603
libtpu: 0.0.44.dev20260713+nightly
codegen_flags: <defaults>
</compile_context>

<pallas_src>
import functools

import jax
import jax.numpy as jnp
from jax import lax
from jax.experimental import pallas as pl
from jax.experimental.pallas import tpu as pltpu
from jax.experimental.pallas import tpu_sc as plsc

N = 10000
E = 320000
D = 128
DE = 16
NSEG = 1000

NP = 10240
EP = 327680
NC = 2
NS = 16
NW = NC * NS
EPW = EP // NW
CHUNK = 128
NCH = EPW // CHUNK
NBUF = 2
RPT = NP // NS
IDXSH = 14
IDXMASK = (1 << IDXSH) - 1

SEGACC = 1024
SEGCH = 64
NSEGCH = (NP // NW) // SEGCH

_MESH = plsc.VectorSubcoreMesh(core_axis_name="c", subcore_axis_name="s")


def _zero_f32(ref, rows, cols):
    @pl.loop(0, rows)
    def _(r):
        @pl.loop(0, cols, step=16)
        def _(c):
            ref[r, pl.ds(c, 16)] = jnp.zeros((16,), jnp.float32)


def _edge_pass(h, src_i, dst_i):
    out = jax.ShapeDtypeStruct((NC, NP, D), jnp.float32)
    scratch = [
        pltpu.VMEM((NCH, CHUNK), jnp.int32),
        pltpu.VMEM((NCH, CHUNK), jnp.int32),
        pltpu.VMEM((CHUNK, D), jnp.float32),
        pltpu.VMEM_SHARED((NP, D), jnp.float32),
    ]

    def body(h_hbm, src_hbm, dst_hbm, hp_hbm, src_v, dst_v, rows_v, acc_h):
        cid = lax.axis_index("c")
        sid = lax.axis_index("s")
        w = cid * NS + sid
        base = sid * RPT

        _zero_f32(rows_v, CHUNK, D)
        for k in range(RPT // CHUNK):
            pltpu.sync_copy(rows_v, acc_h.at[pl.ds(base + k * CHUNK, CHUNK)])

        pltpu.sync_copy(src_hbm.at[w], src_v)
        pltpu.sync_copy(dst_hbm.at[w], dst_v)
        plsc.subcore_barrier()

        @pl.loop(0, NCH)
        def _(j):
            pltpu.sync_copy(h_hbm.at[src_v.at[j]], rows_v)
            pltpu.sync_copy(rows_v, acc_h.at[dst_v.at[j]], add=True)

        plsc.subcore_barrier()
        pltpu.sync_copy(acc_h.at[pl.ds(base, RPT)],
                        hp_hbm.at[cid, pl.ds(base, RPT)])

    f = pl.kernel(body, out_type=out, mesh=_MESH, scratch_types=scratch)
    res = f(h, src_i, dst_i)
    if isinstance(res, (tuple, list)):
        (res,) = res
    return res


def _ea_pass(pk_i, ea):
    out = jax.ShapeDtypeStruct((NC, NP, D), jnp.float32)
    scratch = [
        pltpu.VMEM((NCH, CHUNK), jnp.int32),
        pltpu.VMEM((1, CHUNK), jnp.int32),
        pltpu.VMEM((CHUNK, DE), jnp.float32),
        pltpu.VMEM((CHUNK, D), jnp.float32),
        pltpu.VMEM_SHARED((NP, D), jnp.float32),
    ]

    def body(pk_hbm, ea_hbm, eap_hbm, pk_v, dst_v, ea_v, rows_v, acc):
        cid = lax.axis_index("c")
        sid = lax.axis_index("s")
        w = cid * NS + sid
        base = sid * RPT

        _zero_f32(rows_v, CHUNK, D)
        for k in range(RPT // CHUNK):
            pltpu.sync_copy(rows_v, acc.at[pl.ds(base + k * CHUNK, CHUNK)])

        one0 = jnp.where(lax.iota(jnp.int32, 16) == 0, 1.0, 0.0).astype(
            jnp.float32)

        @pl.loop(0, CHUNK)
        def _(r):
            rows_v[r, pl.ds(16, 16)] = one0

        pltpu.sync_copy(pk_hbm.at[w], pk_v)
        plsc.subcore_barrier()

        ebase = w * EPW

        @pl.loop(0, NCH)
        def _(j):
            pltpu.sync_copy(ea_hbm.at[pl.ds(ebase + j * CHUNK, CHUNK)], ea_v)

            @pl.loop(0, CHUNK, step=16)
            def _(l):
                dst_v[0, pl.ds(l, 16)] = lax.shift_right_logical(
                    pk_v[j, pl.ds(l, 16)], IDXSH)

            @pl.loop(0, CHUNK)
            def _(r):
                rows_v[r, pl.ds(0, 16)] = ea_v[r, pl.ds(0, 16)]

            pltpu.sync_copy(rows_v, acc.at[dst_v.at[0]], add=True)

        plsc.subcore_barrier()
        pltpu.sync_copy(acc.at[pl.ds(base, RPT)],
                        eap_hbm.at[cid, pl.ds(base, RPT)])

    f = pl.kernel(body, out_type=out, mesh=_MESH, scratch_types=scratch)
    res = f(pk_i, ea)
    if isinstance(res, (tuple, list)):
        (res,) = res
    return res


def _seg_pass(h, seg_i):
    out = jax.ShapeDtypeStruct((NC, 2 * SEGACC, D), jnp.float32)
    scratch = [
        pltpu.VMEM((2 * NSEGCH, SEGCH), jnp.int32),
        pltpu.VMEM((SEGCH, D), jnp.float32),
        pltpu.VMEM((SEGCH, D), jnp.float32),
        pltpu.VMEM_SHARED((2 * SEGACC, D), jnp.float32),
    ]
    rpt = 2 * SEGACC // NS

    def body(h_hbm, seg_hbm, sp_hbm, seg_v, rows_v, ones_v, acc):
        cid = lax.axis_index("c")
        sid = lax.axis_index("s")
        w = cid * NS + sid
        base = sid * rpt

        _zero_f32(rows_v, SEGCH, D)

        ones = jnp.ones((16,), jnp.float32)

        @pl.loop(0, SEGCH)
        def _(r):
            @pl.loop(0, D, step=16)
            def _(c):
                ones_v[r, pl.ds(c, 16)] = ones

        for k in range(rpt // SEGCH):
            pltpu.sync_copy(rows_v, acc.at[pl.ds(base + k * SEGCH, SEGCH)])
        pltpu.sync_copy(seg_hbm.at[w], seg_v)
        plsc.subcore_barrier()

        rbase = w * (NP // NW)

        @pl.loop(0, NSEGCH)
        def _(j):
            pltpu.sync_copy(h_hbm.at[pl.ds(rbase + j * SEGCH, SEGCH)], rows_v)
            pltpu.sync_copy(rows_v, acc.at[seg_v.at[j]], add=True)
            pltpu.sync_copy(ones_v, acc.at[seg_v.at[j + NSEGCH]], add=True)

        plsc.subcore_barrier()
        pltpu.sync_copy(acc.at[pl.ds(base, rpt)],
                        sp_hbm.at[cid, pl.ds(base, rpt)])

    f = pl.kernel(body, out_type=out, mesh=_MESH, scratch_types=scratch)
    res = f(h, seg_i)
    if isinstance(res, (tuple, list)):
        (res,) = res
    return res


_BLK = 512
_GRID = NP // _BLK


def _embed_body(x_ref, w_ref, b_ref, o_ref):
    o_ref[...] = (jnp.dot(x_ref[...], w_ref[...],
                          preferred_element_type=jnp.float32) + b_ref[...])


def _embed(x, w, b):
    return pl.pallas_call(
        _embed_body,
        grid=(_GRID,),
        in_specs=[
            pl.BlockSpec((_BLK, D), lambda i: (i, 0)),
            pl.BlockSpec((D, D), lambda i: (0, 0)),
            pl.BlockSpec((1, D), lambda i: (0, 0)),
        ],
        out_specs=pl.BlockSpec((_BLK, D), lambda i: (i, 0)),
        out_shape=jax.ShapeDtypeStruct((NP, D), jnp.float32),
    )(x, w, b.reshape(1, D))


def _layer_body(hp_ref, ec_ref, we_ref, be_ref, w_ref, b_ref,
                g_ref, bt_ref, o_ref):
    p = hp_ref[0] + hp_ref[1]
    ec = ec_ref[0] + ec_ref[1]
    eas = ec[:, 0:DE]
    cnt = ec[:, DE:DE + 1]
    eagg = (jnp.dot(eas, we_ref[...], preferred_element_type=jnp.float32)
            + cnt * be_ref[...])
    agg = (p + eagg) / (cnt + 1.0)
    t = (jnp.dot(agg, w_ref[...], preferred_element_type=jnp.float32)
         + b_ref[...])
    u = jax.nn.gelu(t)
    mu = jnp.mean(u, axis=-1, keepdims=True)
    var = jnp.mean((u - mu) * (u - mu), axis=-1, keepdims=True)
    o_ref[...] = (u - mu) / jnp.sqrt(var + 1e-5) * g_ref[...] + bt_ref[...]


def _layer(hp, eacnt, we, be, w, b, g, bt):
    return pl.pallas_call(
        _layer_body,
        grid=(_GRID,),
        in_specs=[
            pl.BlockSpec((NC, _BLK, D), lambda i: (0, i, 0)),
            pl.BlockSpec((NC, _BLK, D), lambda i: (0, i, 0)),
            pl.BlockSpec((DE, D), lambda i: (0, 0)),
            pl.BlockSpec((1, D), lambda i: (0, 0)),
            pl.BlockSpec((D, D), lambda i: (0, 0)),
            pl.BlockSpec((1, D), lambda i: (0, 0)),
            pl.BlockSpec((1, D), lambda i: (0, 0)),
            pl.BlockSpec((1, D), lambda i: (0, 0)),
        ],
        out_specs=pl.BlockSpec((_BLK, D), lambda i: (i, 0)),
        out_shape=jax.ShapeDtypeStruct((NP, D), jnp.float32),
    )(hp, eacnt, we, be.reshape(1, D), w, b.reshape(1, D),
      g.reshape(1, D), bt.reshape(1, D))


def _fb_body(sp_ref, o_ref):
    s = sp_ref[0] + sp_ref[1]
    cnt = s[SEGACC:SEGACC + NSEG, 0:1]
    o_ref[...] = s[:NSEG] / jnp.maximum(cnt, 1.0)


def _fb(sp):
    return pl.pallas_call(
        _fb_body,
        grid=(1,),
        in_specs=[
            pl.BlockSpec((NC, 2 * SEGACC, D), lambda i: (0, 0, 0)),
        ],
        out_specs=pl.BlockSpec((NSEG, D), lambda i: (0, 0)),
        out_shape=jax.ShapeDtypeStruct((NSEG, D), jnp.float32),
    )(sp)


def kernel(x, edge_index, edge_attr, freqband_order, Wn, bn, We, be,
           W1, b1, g1, bt1, W2, b2, g2, bt2):
    xp = jnp.concatenate(
        [x, jnp.zeros((NP - N, D), jnp.float32)], axis=0)
    src = jnp.concatenate(
        [edge_index[0], jnp.zeros((EP - E,), jnp.int32)])
    dst = jnp.concatenate(
        [edge_index[1], jnp.full((EP - E,), NP - 1, jnp.int32)])
    pk = (src | (dst << IDXSH)).reshape(NW, NCH, CHUNK)
    srcw = src.reshape(NW, NCH, CHUNK)
    dstw = dst.reshape(NW, NCH, CHUNK)
    eap = jnp.concatenate(
        [edge_attr, jnp.zeros((EP - E, DE), jnp.float32)], axis=0)
    seg1 = jnp.concatenate(
        [freqband_order[:, 0], jnp.full((NP - N,), NSEG, jnp.int32)]).reshape(
            NW, NSEGCH, SEGCH)
    seg = jnp.concatenate([seg1, seg1 + SEGACC], axis=1)

    eacnt = _ea_pass(pk, eap)
    h0 = _embed(xp, Wn, bn)
    hp1 = _edge_pass(h0, srcw, dstw)
    h1 = _layer(hp1, eacnt, We, be, W1, b1, g1, bt1)
    hp2 = _edge_pass(h1, srcw, dstw)
    h2 = _layer(hp2, eacnt, We, be, W2, b2, g2, bt2)
    sp = _seg_pass(h2, seg)
    fb = _fb(sp)
    return fb.reshape(NSEG, 1, D)

# --- scband reference (transcript-rebuilt; emitter-appended) ---
"""Pipeline reference for scband-connectome-encoder-45698452029486 (READ-ONLY COPY).

The authoritative reference and input builder live on the scoring server;
editing this copy changes nothing except your own understanding.
"""

import jax, jax.numpy as jnp
import numpy as np

N = 10000
E = 320000
D = 128
DE = 16
NSEG = 1000


def layer_norm(h, g, b):
    mu = jnp.mean(h, axis=-1, keepdims=True)
    var = jnp.var(h, axis=-1, keepdims=True)
    return (h - mu) / jnp.sqrt(var + 1e-5) * g + b


def setup_inputs(seed: int = 0):
    key = jax.random.key(seed)
    ks = jax.random.split(key, 12)
    def lin(k, fi, fo):
        return jax.random.normal(k, (fi, fo), dtype=jnp.float32) * (1.0 / np.sqrt(fi))
    inp = {}
    inp["x"] = jax.random.normal(ks[0], (N, D), dtype=jnp.float32)
    inp["edge_index"] = jax.random.randint(ks[1], (2, E), 0, N, dtype=jnp.int32)
    inp["edge_attr"] = jax.random.normal(ks[2], (E, DE), dtype=jnp.float32)
    inp["freqband_order"] = jnp.sort(jax.random.randint(ks[3], (N, 1), 0, NSEG, dtype=jnp.int32), axis=0)
    inp["Wn"] = lin(ks[4], D, D); inp["bn"] = jnp.zeros((D,), jnp.float32)
    inp["We"] = lin(ks[5], DE, D); inp["be"] = jnp.zeros((D,), jnp.float32)
    inp["W1"] = lin(ks[6], D, D); inp["b1"] = jnp.zeros((D,), jnp.float32)
    inp["g1"] = jnp.ones((D,), jnp.float32); inp["bt1"] = jnp.zeros((D,), jnp.float32)
    inp["W2"] = lin(ks[7], D, D); inp["b2"] = jnp.zeros((D,), jnp.float32)
    inp["g2"] = jnp.ones((D,), jnp.float32); inp["bt2"] = jnp.zeros((D,), jnp.float32)
    return inp


def reference(x, edge_index, edge_attr, freqband_order, Wn, bn, We, be, W1, b1, g1, bt1, W2, b2, g2, bt2):
    src = edge_index[0]
    dst = edge_index[1]
    # node_embedding / edge_embedding
    h = x @ Wn + bn
    e = edge_attr @ We + be
    # degree (with implicit self-loop) for mean-style GCN normalization
    deg = jax.ops.segment_sum(jnp.ones((E,), jnp.float32), dst, num_segments=N) + 1.0
    # GNN layers: gather src features + edge features, scatter-add to dst, normalize, linear, GELU, LayerNorm
    for (W, b, g, bt) in ((W1, b1, g1, bt1), (W2, b2, g2, bt2)):
        msg = h[src] + e
        agg = jax.ops.segment_sum(msg, dst, num_segments=N) / deg[:, None]
        h = layer_norm(jax.nn.gelu(agg @ W + b), g, bt)
    # scatter(reduce='mean') over freqband_order
    seg = freqband_order[:, 0]
    sums = jax.ops.segment_sum(h, seg, num_segments=NSEG)
    cnt = jax.ops.segment_sum(jnp.ones((N,), jnp.float32), seg, num_segments=NSEG)
    fb = sums / jnp.maximum(cnt, 1.0)[:, None]
    num_freqbands = 9 if fb.shape[0] > 20000 else 1
    out = fb.reshape(-1, num_freqbands, fb.shape[1])
    # dropout(p=0.0) is identity in eval
    return out

if __name__ == "__main__":
    import jax
    _d = setup_inputs()
    print(jax.jit(kernel)(*tuple(_d.values())))

</pallas_src>

<mosaic_0001>
#map = affine_map<(d0, d1) -> (0, 0)>
#map1 = affine_map<(d0, d1) -> (0, 0, 0)>
module attributes {stable_mosaic.version = 14 : i64} {
  func.func @body(%arg0: i32, %arg1: i32, %arg2: memref<10240x128xf32, #tpu.memory_space<hbm>>, %arg3: memref<32x10x64xi32, #tpu.memory_space<hbm>>, %arg4: memref<2x2048x128xf32, #tpu.memory_space<hbm>>, %arg5: memref<10x64xi32, #tpu.memory_space<vmem>>, %arg6: memref<64x128xf32, #tpu.memory_space<vmem>>, %arg7: memref<64x128xf32, #tpu.memory_space<vmem>>, %arg8: memref<2048x128xf32, #tpu.memory_space<vmem_shared>>) attributes {dimension_semantics = [#tpu.dimension_semantics<core_parallel>, #tpu.dimension_semantics<subcore_parallel>], iteration_bounds = array<i64: 2, 16>, scalar_prefetch = 0 : i64, scratch_operands = 4 : i64, tpu.core_type = #tpu.core_type<sc_vector_subcore>, window_params = [{transform_indices = #map}, {transform_indices = #map1}, {transform_indices = #map1}]} {
    %mul3A = arith.constant 16 : i32
    %mul3A_0 = arith.muli %arg0, %mul3A : i32
    %add3A = arith.addi %mul3A_0, %arg1 : i32
    %mul3A_1 = arith.constant 128 : i32
    %mul3A_2 = arith.muli %arg1, %mul3A_1 : i32
    %scan3A = arith.constant 0 : i32
    %scan3A_3 = arith.constant 64 : i32
    %scan3A_4 = arith.addi %scan3A, %scan3A_3 : i32
    %scan3A_5 = arith.constant 1 : i32
    scf.for %scan3A_25 = %scan3A to %scan3A_4 step %scan3A_5  : i32 {
      %mul3A_26 = arith.constant 1 : i32
      %mul3A_27 = arith.muli %scan3A_25, %mul3A_26 : i32
      %add3A_28 = arith.constant 0 : i32
      %add3A_29 = arith.addi %add3A_28, %mul3A_27 : i32
      %scan3A_30 = arith.constant 0 : i32
      %scan3A_31 = arith.constant 8 : i32
      %scan3A_32 = arith.addi %scan3A_30, %scan3A_31 : i32
      %scan3A_33 = arith.constant 1 : i32
      scf.for %scan3A_35 = %scan3A_30 to %scan3A_32 step %scan3A_33  : i32 {
        %mul3A_36 = arith.constant 16 : i32
        %mul3A_37 = arith.muli %scan3A_35, %mul3A_36 : i32
        %add3A_38 = arith.constant 0 : i32
        %add3A_39 = arith.addi %add3A_38, %mul3A_37 : i32
        %broadcast_in_dim3A_40 = arith.constant 0.000000e+00 : f32
        %broadcast_in_dim3A_41 = vector.broadcast %broadcast_in_dim3A_40 : f32 to vector<16xf32>
        %swap3A = arith.index_cast %add3A_29 : i32 to index
        %swap3A_42 = arith.index_cast %add3A_39 : i32 to index
        %swap3A_43 = tpu.vector_load %arg6[%swap3A, %swap3A_42] {strides = array<i32>} : memref<64x128xf32, #tpu.memory_space<vmem>>, vector<1x16xf32>,
        %swap3A_44 = vector.shape_cast %swap3A_43 : vector<1x16xf32> to vector<16xf32>
        %swap3A_45 = vector.shape_cast %broadcast_in_dim3A_41 : vector<16xf32> to vector<1x16xf32>
        tpu.vector_store %arg6[%swap3A, %swap3A_42], %swap3A_45 {strides = array<i32>} : memref<64x128xf32, #tpu.memory_space<vmem>>, vector<1x16xf32>,
      }
      %scan3A_34 = arith.constant 8 : i32
    }
    %scan3A_6 = arith.constant 64 : i32
    %broadcast_in_dim3A = arith.constant 1.000000e+00 : f32
    %broadcast_in_dim3A_7 = vector.broadcast %broadcast_in_dim3A : f32 to vector<16xf32>
    %scan3A_8 = arith.constant 0 : i32
    %scan3A_9 = arith.constant 64 : i32
    %scan3A_10 = arith.addi %scan3A_8, %scan3A_9 : i32
    %scan3A_11 = arith.constant 1 : i32
    scf.for %scan3A_25 = %scan3A_8 to %scan3A_10 step %scan3A_11  : i32 {
      %mul3A_26 = arith.constant 1 : i32
      %mul3A_27 = arith.muli %scan3A_25, %mul3A_26 : i32
      %add3A_28 = arith.constant 0 : i32
      %add3A_29 = arith.addi %add3A_28, %mul3A_27 : i32
      %scan3A_30 = arith.constant 0 : i32
      %scan3A_31 = arith.constant 8 : i32
      %scan3A_32 = arith.addi %scan3A_30, %scan3A_31 : i32
      %scan3A_33 = arith.constant 1 : i32
      scf.for %scan3A_35 = %scan3A_30 to %scan3A_32 step %scan3A_33  : i32 {
        %mul3A_36 = arith.constant 16 : i32
        %mul3A_37 = arith.muli %scan3A_35, %mul3A_36 : i32
        %add3A_38 = arith.constant 0 : i32
        %add3A_39 = arith.addi %add3A_38, %mul3A_37 : i32
        %swap3A = arith.index_cast %add3A_29 : i32 to index
        %swap3A_40 = arith.index_cast %add3A_39 : i32 to index
        %swap3A_41 = tpu.vector_load %arg7[%swap3A, %swap3A_40] {strides = array<i32>} : memref<64x128xf32, #tpu.memory_space<vmem>>, vector<1x16xf32>,
        %swap3A_42 = vector.shape_cast %swap3A_41 : vector<1x16xf32> to vector<16xf32>
        %swap3A_43 = vector.shape_cast %broadcast_in_dim3A_7 : vector<16xf32> to vector<1x16xf32>
        tpu.vector_store %arg7[%swap3A, %swap3A_40], %swap3A_43 {strides = array<i32>} : memref<64x128xf32, #tpu.memory_space<vmem>>, vector<1x16xf32>,
      }
      %scan3A_34 = arith.constant 8 : i32
    }
    %scan3A_12 = arith.constant 64 : i32
    %add3A_13 = arith.constant 0 : i32
    %add3A_14 = arith.addi %mul3A_2, %add3A_13 : i32
    "tpu.region"() ({
      %run_scoped3A = tpu.sem_alloc : memref<!tpu.dma_semaphore, #tpu.memory_space<semaphore_mem>>
      %dma_start3A = arith.constant 0 : i32
      %dma_start3A_25 = tpu.memref_slice %arg8[%add3A_14, %dma_start3A] : memref<2048x128xf32, #tpu.memory_space<vmem_shared>> -> memref<64x128xf32, #tpu.memory_space<vmem_shared>>
      %dma_start3A_26 = arith.constant 0 : i32
      %dma_start3A_27 = tpu.memref_slice %arg8[%add3A_14, %dma_start3A_26] : memref<2048x128xf32, #tpu.memory_space<vmem_shared>> -> memref<64x128xf32, #tpu.memory_space<vmem_shared>>
      tpu.enqueue_dma source(%arg6 : memref<64x128xf32, #tpu.memory_space<vmem>>) target(%dma_start3A_27 : memref<64x128xf32, #tpu.memory_space<vmem_shared>>) target_semaphore(%run_scoped3A : memref<!tpu.dma_semaphore, #tpu.memory_space<semaphore_mem>>)
      %dma_wait3A = arith.constant 0 : i32
      %dma_wait3A_28 = tpu.memref_slice %arg8[%add3A_14, %dma_wait3A] : memref<2048x128xf32, #tpu.memory_space<vmem_shared>> -> memref<64x128xf32, #tpu.memory_space<vmem_shared>>
      %dma_wait3A_29 = arith.constant 0 : i32
      %dma_wait3A_30 = tpu.memref_slice %arg8[%add3A_14, %dma_wait3A_29] : memref<2048x128xf32, #tpu.memory_space<vmem_shared>> -> memref<64x128xf32, #tpu.memory_space<vmem_shared>>
      tpu.wait_dma2 semaphore(%run_scoped3A : memref<!tpu.dma_semaphore, #tpu.memory_space<semaphore_mem>>) src(%arg6 : memref<64x128xf32, #tpu.memory_space<vmem>>) dst(%dma_wait3A_30 : memref<64x128xf32, #tpu.memory_space<vmem_shared>>)
      tpu.yield
    }) : () -> ()
    %add3A_15 = arith.constant 64 : i32
    %add3A_16 = arith.addi %mul3A_2, %add3A_15 : i32
    "tpu.region"() ({
      %run_scoped3A = tpu.sem_alloc : memref<!tpu.dma_semaphore, #tpu.memory_space<semaphore_mem>>
      %dma_start3A = arith.constant 0 : i32
      %dma_start3A_25 = tpu.memref_slice %arg8[%add3A_16, %dma_start3A] : memref<2048x128xf32, #tpu.memory_space<vmem_shared>> -> memref<64x128xf32, #tpu.memory_space<vmem_shared>>
      %dma_start3A_26 = arith.constant 0 : i32
      %dma_start3A_27 = tpu.memref_slice %arg8[%add3A_16, %dma_start3A_26] : memref<2048x128xf32, #tpu.memory_space<vmem_shared>> -> memref<64x128xf32, #tpu.memory_space<vmem_shared>>
      tpu.enqueue_dma source(%arg6 : memref<64x128xf32, #tpu.memory_space<vmem>>) target(%dma_start3A_27 : memref<64x128xf32, #tpu.memory_space<vmem_shared>>) target_semaphore(%run_scoped3A : memref<!tpu.dma_semaphore, #tpu.memory_space<semaphore_mem>>)
      %dma_wait3A = arith.constant 0 : i32
      %dma_wait3A_28 = tpu.memref_slice %arg8[%add3A_16, %dma_wait3A] : memref<2048x128xf32, #tpu.memory_space<vmem_shared>> -> memref<64x128xf32, #tpu.memory_space<vmem_shared>>
      %dma_wait3A_29 = arith.constant 0 : i32
      %dma_wait3A_30 = tpu.memref_slice %arg8[%add3A_16, %dma_wait3A_29] : memref<2048x128xf32, #tpu.memory_space<vmem_shared>> -> memref<64x128xf32, #tpu.memory_space<vmem_shared>>
      tpu.wait_dma2 semaphore(%run_scoped3A : memref<!tpu.dma_semaphore, #tpu.memory_space<semaphore_mem>>) src(%arg6 : memref<64x128xf32, #tpu.memory_space<vmem>>) dst(%dma_wait3A_30 : memref<64x128xf32, #tpu.memory_space<vmem_shared>>)
      tpu.yield
    }) : () -> ()
    "tpu.region"() ({
      %run_scoped3A = tpu.sem_alloc : memref<!tpu.dma_semaphore, #tpu.memory_space<semaphore_mem>>
      %dma_start3A = arith.constant 0 : i32
      %dma_start3A_25 = arith.constant 0 : i32
      %dma_start3A_26 = tpu.memref_slice %arg3[%add3A, %dma_start3A, %dma_start3A_25] : memref<32x10x64xi32, #tpu.memory_space<hbm>> -> memref<1x10x64xi32, #tpu.memory_space<hbm>>
      %dma_start3A_27 = tpu.memref_squeeze %dma_start3A_26 : memref<1x10x64xi32, #tpu.memory_space<hbm>> -> memref<10x64xi32, #tpu.memory_space<hbm>>
      %dma_start3A_28 = arith.constant 0 : i32
      %dma_start3A_29 = arith.constant 0 : i32
      %dma_start3A_30 = tpu.memref_slice %arg3[%add3A, %dma_start3A_28, %dma_start3A_29] : memref<32x10x64xi32, #tpu.memory_space<hbm>> -> memref<1x10x64xi32, #tpu.memory_space<hbm>>
      %dma_start3A_31 = tpu.memref_squeeze %dma_start3A_30 : memref<1x10x64xi32, #tpu.memory_space<hbm>> -> memref<10x64xi32, #tpu.memory_space<hbm>>
      tpu.enqueue_dma source(%dma_start3A_31 : memref<10x64xi32, #tpu.memory_space<hbm>>) target(%arg5 : memref<10x64xi32, #tpu.memory_space<vmem>>) target_semaphore(%run_scoped3A : memref<!tpu.dma_semaphore, #tpu.memory_space<semaphore_mem>>)
      %dma_wait3A = arith.constant 0 : i32
      %dma_wait3A_32 = arith.constant 0 : i32
      %dma_wait3A_33 = tpu.memref_slice %arg3[%add3A, %dma_wait3A, %dma_wait3A_32] : memref<32x10x64xi32, #tpu.memory_space<hbm>> -> memref<1x10x64xi32, #tpu.memory_space<hbm>>
      %dma_wait3A_34 = tpu.memref_squeeze %dma_wait3A_33 : memref<1x10x64xi32, #tpu.memory_space<hbm>> -> memref<10x64xi32, #tpu.memory_space<hbm>>
      %dma_wait3A_35 = arith.constant 0 : i32
      %dma_wait3A_36 = arith.constant 0 : i32
      %dma_wait3A_37 = tpu.memref_slice %arg3[%add3A, %dma_wait3A_35, %dma_wait3A_36] : memref<32x10x64xi32, #tpu.memory_space<hbm>> -> memref<1x10x64xi32, #tpu.memory_space<hbm>>
      %dma_wait3A_38 = tpu.memref_squeeze %dma_wait3A_37 : memref<1x10x64xi32, #tpu.memory_space<hbm>> -> memref<10x64xi32, #tpu.memory_space<hbm>>
      tpu.wait_dma2 semaphore(%run_scoped3A : memref<!tpu.dma_semaphore, #tpu.memory_space<semaphore_mem>>) src(%dma_wait3A_38 : memref<10x64xi32, #tpu.memory_space<hbm>>) dst(%arg5 : memref<10x64xi32, #tpu.memory_space<vmem>>)
      tpu.yield
    }) : () -> ()
    %barrier3A = arith.constant 0 : index
    tpu.barrier barrier_id(%barrier3A)
    %mul3A_17 = arith.constant 320 : i32
    %mul3A_18 = arith.muli %add3A, %mul3A_17 : i32
    %scan3A_19 = arith.constant 0 : i32
    %scan3A_20 = arith.constant 5 : i32
    %scan3A_21 = arith.addi %scan3A_19, %scan3A_20 : i32
    %scan3A_22 = arith.constant 1 : i32
    scf.for %scan3A_25 = %scan3A_19 to %scan3A_21 step %scan3A_22  : i32 {
      %mul3A_26 = arith.constant 1 : i32
      %mul3A_27 = arith.muli %scan3A_25, %mul3A_26 : i32
      %add3A_28 = arith.constant 0 : i32
      %add3A_29 = arith.addi %add3A_28, %mul3A_27 : i32
      %mul3A_30 = arith.constant 64 : i32
      %mul3A_31 = arith.muli %add3A_29, %mul3A_30 : i32
      %add3A_32 = arith.addi %mul3A_18, %mul3A_31 : i32
      "tpu.region"() ({
        %run_scoped3A = tpu.sem_alloc : memref<!tpu.dma_semaphore, #tpu.memory_space<semaphore_mem>>
        %dma_start3A = arith.constant 0 : i32
        %dma_start3A_35 = tpu.memref_slice %arg2[%add3A_32, %dma_start3A] : memref<10240x128xf32, #tpu.memory_space<hbm>> -> memref<64x128xf32, #tpu.memory_space<hbm>>
        %dma_start3A_36 = arith.constant 0 : i32
        %dma_start3A_37 = tpu.memref_slice %arg2[%add3A_32, %dma_start3A_36] : memref<10240x128xf32, #tpu.memory_space<hbm>> -> memref<64x128xf32, #tpu.memory_space<hbm>>
        tpu.enqueue_dma source(%dma_start3A_37 : memref<64x128xf32, #tpu.memory_space<hbm>>) target(%arg6 : memref<64x128xf32, #tpu.memory_space<vmem>>) target_semaphore(%run_scoped3A : memref<!tpu.dma_semaphore, #tpu.memory_space<semaphore_mem>>)
        %dma_wait3A = arith.constant 0 : i32
        %dma_wait3A_38 = tpu.memref_slice %arg2[%add3A_32, %dma_wait3A] : memref<10240x128xf32, #tpu.memory_space<hbm>> -> memref<64x128xf32, #tpu.memory_space<hbm>>
        %dma_wait3A_39 = arith.constant 0 : i32
        %dma_wait3A_40 = tpu.memref_slice %arg2[%add3A_32, %dma_wait3A_39] : memref<10240x128xf32, #tpu.memory_space<hbm>> -> memref<64x128xf32, #tpu.memory_space<hbm>>
        tpu.wait_dma2 semaphore(%run_scoped3A : memref<!tpu.dma_semaphore, #tpu.memory_space<semaphore_mem>>) src(%dma_wait3A_40 : memref<64x128xf32, #tpu.memory_space<hbm>>) dst(%arg6 : memref<64x128xf32, #tpu.memory_space<vmem>>)
        tpu.yield
      }) : () -> ()
      "tpu.region"() ({
        %run_scoped3A = tpu.sem_alloc : memref<!tpu.dma_semaphore, #tpu.memory_space<semaphore_mem>>
        %dma_start3A = arith.constant 0 : i32
        %dma_start3A_35 = tpu.memref_slice %arg5[%add3A_29, %dma_start3A] : memref<10x64xi32, #tpu.memory_space<vmem>> -> memref<1x64xi32, #tpu.memory_space<vmem>>
        %dma_start3A_36 = tpu.memref_squeeze %dma_start3A_35 : memref<1x64xi32, #tpu.memory_space<vmem>> -> memref<64xi32, #tpu.memory_space<vmem>>
        %dma_start3A_37 = arith.constant 0 : i32
        %dma_start3A_38 = arith.constant 0 : i32
        %dma_start3A_39 = tpu.memref_slice %arg8[%dma_start3A_37, %dma_start3A_38] : memref<2048x128xf32, #tpu.memory_space<vmem_shared>> -> memref<2048x128xf32, #tpu.memory_space<vmem_shared>>
        tpu.enqueue_indirect_dma source(%arg6 : memref<64x128xf32, #tpu.memory_space<vmem>>) target(%dma_start3A_39 : memref<2048x128xf32, #tpu.memory_space<vmem_shared>>) offsets(%dma_start3A_36 : memref<64xi32, #tpu.memory_space<vmem>>) semaphore(%run_scoped3A : memref<!tpu.dma_semaphore, #tpu.memory_space<semaphore_mem>>) {add = true}
        %dma_wait3A = arith.constant 0 : i32
        %dma_wait3A_40 = tpu.memref_slice %arg5[%add3A_29, %dma_wait3A] : memref<10x64xi32, #tpu.memory_space<vmem>> -> memref<1x64xi32, #tpu.memory_space<vmem>>
        %dma_wait3A_41 = tpu.memref_squeeze %dma_wait3A_40 : memref<1x64xi32, #tpu.memory_space<vmem>> -> memref<64xi32, #tpu.memory_space<vmem>>
        %dma_wait3A_42 = arith.constant 0 : i32
        %dma_wait3A_43 = arith.constant 0 : i32
        %dma_wait3A_44 = tpu.memref_slice %arg8[%dma_wait3A_42, %dma_wait3A_43] : memref<2048x128xf32, #tpu.memory_space<vmem_shared>> -> memref<2048x128xf32, #tpu.memory_space<vmem_shared>>
        tpu.wait_indirect_dma semaphore(%run_scoped3A : memref<!tpu.dma_semaphore, #tpu.memory_space<semaphore_mem>>) src(%arg6 : memref<64x128xf32, #tpu.memory_space<vmem>>) dst(%dma_wait3A_44 : memref<2048x128xf32, #tpu.memory_space<vmem_shared>>)
        tpu.yield
      }) : () -> ()
      %add3A_33 = arith.constant 5 : i32
      %add3A_34 = arith.addi %add3A_29, %add3A_33 : i32
      "tpu.region"() ({
        %run_scoped3A = tpu.sem_alloc : memref<!tpu.dma_semaphore, #tpu.memory_space<semaphore_mem>>
        %dma_start3A = arith.constant 0 : i32
        %dma_start3A_35 = tpu.memref_slice %arg5[%add3A_34, %dma_start3A] : memref<10x64xi32, #tpu.memory_space<vmem>> -> memref<1x64xi32, #tpu.memory_space<vmem>>
        %dma_start3A_36 = tpu.memref_squeeze %dma_start3A_35 : memref<1x64xi32, #tpu.memory_space<vmem>> -> memref<64xi32, #tpu.memory_space<vmem>>
        %dma_start3A_37 = arith.constant 0 : i32
        %dma_start3A_38 = arith.constant 0 : i32
        %dma_start3A_39 = tpu.memref_slice %arg8[%dma_start3A_37, %dma_start3A_38] : memref<2048x128xf32, #tpu.memory_space<vmem_shared>> -> memref<2048x128xf32, #tpu.memory_space<vmem_shared>>
        tpu.enqueue_indirect_dma source(%arg7 : memref<64x128xf32, #tpu.memory_space<vmem>>) target(%dma_start3A_39 : memref<2048x128xf32, #tpu.memory_space<vmem_shared>>) offsets(%dma_start3A_36 : memref<64xi32, #tpu.memory_space<vmem>>) semaphore(%run_scoped3A : memref<!tpu.dma_semaphore, #tpu.memory_space<semaphore_mem>>) {add = true}
        %dma_wait3A = arith.constant 0 : i32
        %dma_wait3A_40 = tpu.memref_slice %arg5[%add3A_34, %dma_wait3A] : memref<10x64xi32, #tpu.memory_space<vmem>> -> memref<1x64xi32, #tpu.memory_space<vmem>>
        %dma_wait3A_41 = tpu.memref_squeeze %dma_wait3A_40 : memref<1x64xi32, #tpu.memory_space<vmem>> -> memref<64xi32, #tpu.memory_space<vmem>>
        %dma_wait3A_42 = arith.constant 0 : i32
        %dma_wait3A_43 = arith.constant 0 : i32
        %dma_wait3A_44 = tpu.memref_slice %arg8[%dma_wait3A_42, %dma_wait3A_43] : memref<2048x128xf32, #tpu.memory_space<vmem_shared>> -> memref<2048x128xf32, #tpu.memory_space<vmem_shared>>
        tpu.wait_indirect_dma semaphore(%run_scoped3A : memref<!tpu.dma_semaphore, #tpu.memory_space<semaphore_mem>>) src(%arg7 : memref<64x128xf32, #tpu.memory_space<vmem>>) dst(%dma_wait3A_44 : memref<2048x128xf32, #tpu.memory_space<vmem_shared>>)
        tpu.yield
      }) : () -> ()
    }
    %scan3A_23 = arith.constant 5 : i32
    %barrier3A_24 = arith.constant 0 : index
    tpu.barrier barrier_id(%barrier3A_24)
    "tpu.region"() ({
      %run_scoped3A = tpu.sem_alloc : memref<!tpu.dma_semaphore, #tpu.memory_space<semaphore_mem>>
      %dma_start3A = arith.constant 0 : i32
      %dma_start3A_25 = tpu.memref_slice %arg4[%arg0, %mul3A_2, %dma_start3A] : memref<2x2048x128xf32, #tpu.memory_space<hbm>> -> memref<1x128x128xf32, #tpu.memory_space<hbm>>
      %dma_start3A_26 = tpu.memref_squeeze %dma_start3A_25 : memref<1x128x128xf32, #tpu.memory_space<hbm>> -> memref<128x128xf32, #tpu.memory_space<hbm>>
      %dma_start3A_27 = arith.constant 0 : i32
      %dma_start3A_28 = tpu.memref_slice %arg8[%mul3A_2, %dma_start3A_27] : memref<2048x128xf32, #tpu.memory_space<vmem_shared>> -> memref<128x128xf32, #tpu.memory_space<vmem_shared>>
      tpu.enqueue_dma source(%dma_start3A_28 : memref<128x128xf32, #tpu.memory_space<vmem_shared>>) target(%dma_start3A_26 : memref<128x128xf32, #tpu.memory_space<hbm>>) target_semaphore(%run_scoped3A : memref<!tpu.dma_semaphore, #tpu.memory_space<semaphore_mem>>)
      %dma_wait3A = arith.constant 0 : i32
      %dma_wait3A_29 = tpu.memref_slice %arg4[%arg0, %mul3A_2, %dma_wait3A] : memref<2x2048x128xf32, #tpu.memory_space<hbm>> -> memref<1x128x128xf32, #tpu.memory_space<hbm>>
      %dma_wait3A_30 = tpu.memref_squeeze %dma_wait3A_29 : memref<1x128x128xf32, #tpu.memory_space<hbm>> -> memref<128x128xf32, #tpu.memory_space<hbm>>
      %dma_wait3A_31 = arith.constant 0 : i32
      %dma_wait3A_32 = tpu.memref_slice %arg8[%mul3A_2, %dma_wait3A_31] : memref<2048x128xf32, #tpu.memory_space<vmem_shared>> -> memref<128x128xf32, #tpu.memory_space<vmem_shared>>
      tpu.wait_dma2 semaphore(%run_scoped3A : memref<!tpu.dma_semaphore, #tpu.memory_space<semaphore_mem>>) src(%dma_wait3A_32 : memref<128x128xf32, #tpu.memory_space<vmem_shared>>) dst(%dma_wait3A_30 : memref<128x128xf32, #tpu.memory_space<hbm>>)
      tpu.yield
    }) : () -> ()
    return
  }
}

#map = affine_map<(d0, d1) -> (0, 0, 0)>
#map1 = affine_map<(d0, d1) -> (0, 0)>
module attributes {stable_mosaic.version = 14 : i64} {
  func.func @body(%arg0: i32, %arg1: i32, %arg2: memref<32x80x128xi32, #tpu.memory_space<hbm>>, %arg3: memref<327680x16xf32, #tpu.memory_space<hbm>>, %arg4: memref<2x10240x128xf32, #tpu.memory_space<hbm>>, %arg5: memref<80x128xi32, #tpu.memory_space<vmem>>, %arg6: memref<1x128xi32, #tpu.memory_space<vmem>>, %arg7: memref<128x16xf32, #tpu.memory_space<vmem>>, %arg8: memref<128x128xf32, #tpu.memory_space<vmem>>, %arg9: memref<10240x128xf32, #tpu.memory_space<vmem_shared>>) attributes {dimension_semantics = [#tpu.dimension_semantics<core_parallel>, #tpu.dimension_semantics<subcore_parallel>], iteration_bounds = array<i64: 2, 16>, scalar_prefetch = 0 : i64, scratch_operands = 5 : i64, tpu.core_type = #tpu.core_type<sc_vector_subcore>, window_params = [{transform_indices = #map}, {transform_indices = #map1}, {transform_indices = #map}]} {
    %mul3A = arith.constant 16 : i32
    %mul3A_0 = arith.muli %arg0, %mul3A : i32
    %add3A = arith.addi %mul3A_0, %arg1 : i32
    %mul3A_1 = arith.constant 640 : i32
    %mul3A_2 = arith.muli %arg1, %mul3A_1 : i32
    %scan3A = arith.constant 0 : i32
    %scan3A_3 = arith.constant 128 : i32
    %scan3A_4 = arith.addi %scan3A, %scan3A_3 : i32
    %scan3A_5 = arith.constant 1 : i32
    scf.for %scan3A_34 = %scan3A to %scan3A_4 step %scan3A_5  : i32 {
      %mul3A_35 = arith.constant 1 : i32
      %mul3A_36 = arith.muli %scan3A_34, %mul3A_35 : i32
      %add3A_37 = arith.constant 0 : i32
      %add3A_38 = arith.addi %add3A_37, %mul3A_36 : i32
      %scan3A_39 = arith.constant 0 : i32
      %scan3A_40 = arith.constant 8 : i32
      %scan3A_41 = arith.addi %scan3A_39, %scan3A_40 : i32
      %scan3A_42 = arith.constant 1 : i32
      scf.for %scan3A_44 = %scan3A_39 to %scan3A_41 step %scan3A_42  : i32 {
        %mul3A_45 = arith.constant 16 : i32
        %mul3A_46 = arith.muli %scan3A_44, %mul3A_45 : i32
        %add3A_47 = arith.constant 0 : i32
        %add3A_48 = arith.addi %add3A_47, %mul3A_46 : i32
        %broadcast_in_dim3A_49 = arith.constant 0.000000e+00 : f32
        %broadcast_in_dim3A_50 = vector.broadcast %broadcast_in_dim3A_49 : f32 to vector<16xf32>
        %swap3A = arith.index_cast %add3A_38 : i32 to index
        %swap3A_51 = arith.index_cast %add3A_48 : i32 to index
        %swap3A_52 = tpu.vector_load %arg8[%swap3A, %swap3A_51] {strides = array<i32>} : memref<128x128xf32, #tpu.memory_space<vmem>>, vector<1x16xf32>,
        %swap3A_53 = vector.shape_cast %swap3A_52 : vector<1x16xf32> to vector<16xf32>
        %swap3A_54 = vector.shape_cast %broadcast_in_dim3A_50 : vector<16xf32> to vector<1x16xf32>
        tpu.vector_store %arg8[%swap3A, %swap3A_51], %swap3A_54 {strides = array<i32>} : memref<128x128xf32, #tpu.memory_space<vmem>>, vector<1x16xf32>,
      }
      %scan3A_43 = arith.constant 8 : i32
    }
    %scan3A_6 = arith.constant 128 : i32
    %add3A_7 = arith.constant 0 : i32
    %add3A_8 = arith.addi %mul3A_2, %add3A_7 : i32
    "tpu.region"() ({
      %run_scoped3A = tpu.sem_alloc : memref<!tpu.dma_semaphore, #tpu.memory_space<semaphore_mem>>
      %dma_start3A = arith.constant 0 : i32
      %dma_start3A_34 = tpu.memref_slice %arg9[%add3A_8, %dma_start3A] : memref<10240x128xf32, #tpu.memory_space<vmem_shared>> -> memref<128x128xf32, #tpu.memory_space<vmem_shared>>
      %dma_start3A_35 = arith.constant 0 : i32
      %dma_start3A_36 = tpu.memref_slice %arg9[%add3A_8, %dma_start3A_35] : memref<10240x128xf32, #tpu.memory_space<vmem_shared>> -> memref<128x128xf32, #tpu.memory_space<vmem_shared>>
      tpu.enqueue_dma source(%arg8 : memref<128x128xf32, #tpu.memory_space<vmem>>) target(%dma_start3A_36 : memref<128x128xf32, #tpu.memory_space<vmem_shared>>) target_semaphore(%run_scoped3A : memref<!tpu.dma_semaphore, #tpu.memory_space<semaphore_mem>>)
      %dma_wait3A = arith.constant 0 : i32
      %dma_wait3A_37 = tpu.memref_slice %arg9[%add3A_8, %dma_wait3A] : memref<10240x128xf32, #tpu.memory_space<vmem_shared>> -> memref<128x128xf32, #tpu.memory_space<vmem_shared>>
      %dma_wait3A_38 = arith.constant 0 : i32
      %dma_wait3A_39 = tpu.memref_slice %arg9[%add3A_8, %dma_wait3A_38] : memref<10240x128xf32, #tpu.memory_space<vmem_shared>> -> memref<128x128xf32, #tpu.memory_space<vmem_shared>>
      tpu.wait_dma2 semaphore(%run_scoped3A : memref<!tpu.dma_semaphore, #tpu.memory_space<semaphore_mem>>) src(%arg8 : memref<128x128xf32, #tpu.memory_space<vmem>>) dst(%dma_wait3A_39 : memref<128x128xf32, #tpu.memory_space<vmem_shared>>)
      tpu.yield
    }) : () -> ()
    %add3A_9 = arith.constant 128 : i32
    %add3A_10 = arith.addi %mul3A_2, %add3A_9 : i32
    "tpu.region"() ({
      %run_scoped3A = tpu.sem_alloc : memref<!tpu.dma_semaphore, #tpu.memory_space<semaphore_mem>>
      %dma_start3A = arith.constant 0 : i32
      %dma_start3A_34 = tpu.memref_slice %arg9[%add3A_10, %dma_start3A] : memref<10240x128xf32, #tpu.memory_space<vmem_shared>> -> memref<128x128xf32, #tpu.memory_space<vmem_shared>>
      %dma_start3A_35 = arith.constant 0 : i32
      %dma_start3A_36 = tpu.memref_slice %arg9[%add3A_10, %dma_start3A_35] : memref<10240x128xf32, #tpu.memory_space<vmem_shared>> -> memref<128x128xf32, #tpu.memory_space<vmem_shared>>
      tpu.enqueue_dma source(%arg8 : memref<128x128xf32, #tpu.memory_space<vmem>>) target(%dma_start3A_36 : memref<128x128xf32, #tpu.memory_space<vmem_shared>>) target_semaphore(%run_scoped3A : memref<!tpu.dma_semaphore, #tpu.memory_space<semaphore_mem>>)
      %dma_wait3A = arith.constant 0 : i32
      %dma_wait3A_37 = tpu.memref_slice %arg9[%add3A_10, %dma_wait3A] : memref<10240x128xf32, #tpu.memory_space<vmem_shared>> -> memref<128x128xf32, #tpu.memory_space<vmem_shared>>
      %dma_wait3A_38 = arith.constant 0 : i32
      %dma_wait3A_39 = tpu.memref_slice %arg9[%add3A_10, %dma_wait3A_38] : memref<10240x128xf32, #tpu.memory_space<vmem_shared>> -> memref<128x128xf32, #tpu.memory_space<vmem_shared>>
      tpu.wait_dma2 semaphore(%run_scoped3A : memref<!tpu.dma_semaphore, #tpu.memory_space<semaphore_mem>>) src(%arg8 : memref<128x128xf32, #tpu.memory_space<vmem>>) dst(%dma_wait3A_39 : memref<128x128xf32, #tpu.memory_space<vmem_shared>>)
      tpu.yield
    }) : () -> ()
    %add3A_11 = arith.constant 256 : i32
    %add3A_12 = arith.addi %mul3A_2, %add3A_11 : i32
    "tpu.region"() ({
      %run_scoped3A = tpu.sem_alloc : memref<!tpu.dma_semaphore, #tpu.memory_space<semaphore_mem>>
      %dma_start3A = arith.constant 0 : i32
      %dma_start3A_34 = tpu.memref_slice %arg9[%add3A_12, %dma_start3A] : memref<10240x128xf32, #tpu.memory_space<vmem_shared>> -> memref<128x128xf32, #tpu.memory_space<vmem_shared>>
      %dma_start3A_35 = arith.constant 0 : i32
      %dma_start3A_36 = tpu.memref_slice %arg9[%add3A_12, %dma_start3A_35] : memref<10240x128xf32, #tpu.memory_space<vmem_shared>> -> memref<128x128xf32, #tpu.memory_space<vmem_shared>>
      tpu.enqueue_dma source(%arg8 : memref<128x128xf32, #tpu.memory_space<vmem>>) target(%dma_start3A_36 : memref<128x128xf32, #tpu.memory_space<vmem_shared>>) target_semaphore(%run_scoped3A : memref<!tpu.dma_semaphore, #tpu.memory_space<semaphore_mem>>)
      %dma_wait3A = arith.constant 0 : i32
      %dma_wait3A_37 = tpu.memref_slice %arg9[%add3A_12, %dma_wait3A] : memref<10240x128xf32, #tpu.memory_space<vmem_shared>> -> memref<128x128xf32, #tpu.memory_space<vmem_shared>>
      %dma_wait3A_38 = arith.constant 0 : i32
      %dma_wait3A_39 = tpu.memref_slice %arg9[%add3A_12, %dma_wait3A_38] : memref<10240x128xf32, #tpu.memory_space<vmem_shared>> -> memref<128x128xf32, #tpu.memory_space<vmem_shared>>
      tpu.wait_dma2 semaphore(%run_scoped3A : memref<!tpu.dma_semaphore, #tpu.memory_space<semaphore_mem>>) src(%arg8 : memref<128x128xf32, #tpu.memory_space<vmem>>) dst(%dma_wait3A_39 : memref<128x128xf32, #tpu.memory_space<vmem_shared>>)
      tpu.yield
    }) : () -> ()
    %add3A_13 = arith.constant 384 : i32
    %add3A_14 = arith.addi %mul3A_2, %add3A_13 : i32
    "tpu.region"() ({
      %run_scoped3A = tpu.sem_alloc : memref<!tpu.dma_semaphore, #tpu.memory_space<semaphore_mem>>
      %dma_start3A = arith.constant 0 : i32
      %dma_start3A_34 = tpu.memref_slice %arg9[%add3A_14, %dma_start3A] : memref<10240x128xf32, #tpu.memory_space<vmem_shared>> -> memref<128x128xf32, #tpu.memory_space<vmem_shared>>
      %dma_start3A_35 = arith.constant 0 : i32
      %dma_start3A_36 = tpu.memref_slice %arg9[%add3A_14, %dma_start3A_35] : memref<10240x128xf32, #tpu.memory_space<vmem_shared>> -> memref<128x128xf32, #tpu.memory_space<vmem_shared>>
      tpu.enqueue_dma source(%arg8 : memref<128x128xf32, #tpu.memory_space<vmem>>) target(%dma_start3A_36 : memref<128x128xf32, #tpu.memory_space<vmem_shared>>) target_semaphore(%run_scoped3A : memref<!tpu.dma_semaphore, #tpu.memory_space<semaphore_mem>>)
      %dma_wait3A = arith.constant 0 : i32
      %dma_wait3A_37 = tpu.memref_slice %arg9[%add3A_14, %dma_wait3A] : memref<10240x128xf32, #tpu.memory_space<vmem_shared>> -> memref<128x128xf32, #tpu.memory_space<vmem_shared>>
      %dma_wait3A_38 = arith.constant 0 : i32
      %dma_wait3A_39 = tpu.memref_slice %arg9[%add3A_14, %dma_wait3A_38] : memref<10240x128xf32, #tpu.memory_space<vmem_shared>> -> memref<128x128xf32, #tpu.memory_space<vmem_shared>>
      tpu.wait_dma2 semaphore(%run_scoped3A : memref<!tpu.dma_semaphore, #tpu.memory_space<semaphore_mem>>) src(%arg8 : memref<128x128xf32, #tpu.memory_space<vmem>>) dst(%dma_wait3A_39 : memref<128x128xf32, #tpu.memory_space<vmem_shared>>)
      tpu.yield
    }) : () -> ()
    %add3A_15 = arith.constant 512 : i32
    %add3A_16 = arith.addi %mul3A_2, %add3A_15 : i32
    "tpu.region"() ({
      %run_scoped3A = tpu.sem_alloc : memref<!tpu.dma_semaphore, #tpu.memory_space<semaphore_mem>>
      %dma_start3A = arith.constant 0 : i32
      %dma_start3A_34 = tpu.memref_slice %arg9[%add3A_16, %dma_start3A] : memref<10240x128xf32, #tpu.memory_space<vmem_shared>> -> memref<128x128xf32, #tpu.memory_space<vmem_shared>>
      %dma_start3A_35 = arith.constant 0 : i32
      %dma_start3A_36 = tpu.memref_slice %arg9[%add3A_16, %dma_start3A_35] : memref<10240x128xf32, #tpu.memory_space<vmem_shared>> -> memref<128x128xf32, #tpu.memory_space<vmem_shared>>
      tpu.enqueue_dma source(%arg8 : memref<128x128xf32, #tpu.memory_space<vmem>>) target(%dma_start3A_36 : memref<128x128xf32, #tpu.memory_space<vmem_shared>>) target_semaphore(%run_scoped3A : memref<!tpu.dma_semaphore, #tpu.memory_space<semaphore_mem>>)
      %dma_wait3A = arith.constant 0 : i32
      %dma_wait3A_37 = tpu.memref_slice %arg9[%add3A_16, %dma_wait3A] : memref<10240x128xf32, #tpu.memory_space<vmem_shared>> -> memref<128x128xf32, #tpu.memory_space<vmem_shared>>
      %dma_wait3A_38 = arith.constant 0 : i32
      %dma_wait3A_39 = tpu.memref_slice %arg9[%add3A_16, %dma_wait3A_38] : memref<10240x128xf32, #tpu.memory_space<vmem_shared>> -> memref<128x128xf32, #tpu.memory_space<vmem_shared>>
      tpu.wait_dma2 semaphore(%run_scoped3A : memref<!tpu.dma_semaphore, #tpu.memory_space<semaphore_mem>>) src(%arg8 : memref<128x128xf32, #tpu.memory_space<vmem>>) dst(%dma_wait3A_39 : memref<128x128xf32, #tpu.memory_space<vmem_shared>>)
      tpu.yield
    }) : () -> ()
    %iota3A = tpu.iota {dimensions = array<i32: 0>} : vector<16xi32>
    %eq3A = arith.constant 0 : i32
    %eq3A_17 = vector.broadcast %eq3A : i32 to vector<16xi32>
    %eq3A_18 = arith.cmpi eq, %iota3A, %eq3A_17 : vector<16xi32>
    %jit3A = arith.constant 1.000000e+00 : f32
    %jit3A_19 = arith.constant 0.000000e+00 : f32
    %broadcast_in_dim3A = vector.broadcast %jit3A : f32 to vector<16xf32>
    %broadcast_in_dim3A_20 = vector.broadcast %jit3A_19 : f32 to vector<16xf32>
    %select_n3A = arith.select %eq3A_18, %broadcast_in_dim3A, %broadcast_in_dim3A_20 : vector<16xi1>, vector<16xf32>
    %scan3A_21 = arith.constant 0 : i32
    %scan3A_22 = arith.constant 128 : i32
    %scan3A_23 = arith.addi %scan3A_21, %scan3A_22 : i32
    %scan3A_24 = arith.constant 1 : i32
    scf.for %scan3A_34 = %scan3A_21 to %scan3A_23 step %scan3A_24  : i32 {
      %mul3A_35 = arith.constant 1 : i32
      %mul3A_36 = arith.muli %scan3A_34, %mul3A_35 : i32
      %add3A_37 = arith.constant 0 : i32
      %add3A_38 = arith.addi %add3A_37, %mul3A_36 : i32
      %swap3A = arith.index_cast %add3A_38 : i32 to index
      %swap3A_39 = arith.constant 16 : index
      %swap3A_40 = tpu.vector_load %arg8[%swap3A, %swap3A_39] {strides = array<i32>} : memref<128x128xf32, #tpu.memory_space<vmem>>, vector<1x16xf32>,
      %swap3A_41 = vector.shape_cast %swap3A_40 : vector<1x16xf32> to vector<16xf32>
      %swap3A_42 = vector.shape_cast %select_n3A : vector<16xf32> to vector<1x16xf32>
      tpu.vector_store %arg8[%swap3A, %swap3A_39], %swap3A_42 {strides = array<i32>} : memref<128x128xf32, #tpu.memory_space<vmem>>, vector<1x16xf32>,
    }
    %scan3A_25 = arith.constant 128 : i32
    "tpu.region"() ({
      %run_scoped3A = tpu.sem_alloc : memref<!tpu.dma_semaphore, #tpu.memory_space<semaphore_mem>>
      %dma_start3A = arith.constant 0 : i32
      %dma_start3A_34 = arith.constant 0 : i32
      %dma_start3A_35 = tpu.memref_slice %arg2[%add3A, %dma_start3A, %dma_start3A_34] : memref<32x80x128xi32, #tpu.memory_space<hbm>> -> memref<1x80x128xi32, #tpu.memory_space<hbm>>
      %dma_start3A_36 = tpu.memref_squeeze %dma_start3A_35 : memref<1x80x128xi32, #tpu.memory_space<hbm>> -> memref<80x128xi32, #tpu.memory_space<hbm>>
      %dma_start3A_37 = arith.constant 0 : i32
      %dma_start3A_38 = arith.constant 0 : i32
      %dma_start3A_39 = tpu.memref_slice %arg2[%add3A, %dma_start3A_37, %dma_start3A_38] : memref<32x80x128xi32, #tpu.memory_space<hbm>> -> memref<1x80x128xi32, #tpu.memory_space<hbm>>
      %dma_start3A_40 = tpu.memref_squeeze %dma_start3A_39 : memref<1x80x128xi32, #tpu.memory_space<hbm>> -> memref<80x128xi32, #tpu.memory_space<hbm>>
      tpu.enqueue_dma source(%dma_start3A_40 : memref<80x128xi32, #tpu.memory_space<hbm>>) target(%arg5 : memref<80x128xi32, #tpu.memory_space<vmem>>) target_semaphore(%run_scoped3A : memref<!tpu.dma_semaphore, #tpu.memory_space<semaphore_mem>>)
      %dma_wait3A = arith.constant 0 : i32
      %dma_wait3A_41 = arith.constant 0 : i32
      %dma_wait3A_42 = tpu.memref_slice %arg2[%add3A, %dma_wait3A, %dma_wait3A_41] : memref<32x80x128xi32, #tpu.memory_space<hbm>> -> memref<1x80x128xi32, #tpu.memory_space<hbm>>
      %dma_wait3A_43 = tpu.memref_squeeze %dma_wait3A_42 : memref<1x80x128xi32, #tpu.memory_space<hbm>> -> memref<80x128xi32, #tpu.memory_space<hbm>>
      %dma_wait3A_44 = arith.constant 0 : i32
      %dma_wait3A_45 = arith.constant 0 : i32
      %dma_wait3A_46 = tpu.memref_slice %arg2[%add3A, %dma_wait3A_44, %dma_wait3A_45] : memref<32x80x128xi32, #tpu.memory_space<hbm>> -> memref<1x80x128xi32, #tpu.memory_space<hbm>>
      %dma_wait3A_47 = tpu.memref_squeeze %dma_wait3A_46 : memref<1x80x128xi32, #tpu.memory_space<hbm>> -> memref<80x128xi32, #tpu.memory_space<hbm>>
      tpu.wait_dma2 semaphore(%run_scoped3A : memref<!tpu.dma_semaphore, #tpu.memory_space<semaphore_mem>>) src(%dma_wait3A_47 : memref<80x128xi32, #tpu.memory_space<hbm>>) dst(%arg5 : memref<80x128xi32, #tpu.memory_space<vmem>>)
      tpu.yield
    }) : () -> ()
    %barrier3A = arith.constant 0 : index
    tpu.barrier barrier_id(%barrier3A)
    %mul3A_26 = arith.constant 10240 : i32
    %mul3A_27 = arith.muli %add3A, %mul3A_26 : i32
    %scan3A_28 = arith.constant 0 : i32
    %scan3A_29 = arith.constant 80 : i32
    %scan3A_30 = arith.addi %scan3A_28, %scan3A_29 : i32
    %scan3A_31 = arith.constant 1 : i32
    scf.for %scan3A_34 = %scan3A_28 to %scan3A_30 step %scan3A_31  : i32 {
      %mul3A_35 = arith.constant 1 : i32
      %mul3A_36 = arith.muli %scan3A_34, %mul3A_35 : i32
      %add3A_37 = arith.constant 0 : i32
      %add3A_38 = arith.addi %add3A_37, %mul3A_36 : i32
      %mul3A_39 = arith.constant 128 : i32
      %mul3A_40 = arith.muli %add3A_38, %mul3A_39 : i32
      %add3A_41 = arith.addi %mul3A_27, %mul3A_40 : i32
      "tpu.region"() ({
        %run_scoped3A_52 = tpu.sem_alloc : memref<!tpu.dma_semaphore, #tpu.memory_space<semaphore_mem>>
        %dma_start3A = arith.constant 0 : i32
        %dma_start3A_53 = tpu.memref_slice %arg3[%add3A_41, %dma_start3A] : memref<327680x16xf32, #tpu.memory_space<hbm>> -> memref<128x16xf32, #tpu.memory_space<hbm>>
        %dma_start3A_54 = arith.constant 0 : i32
        %dma_start3A_55 = tpu.memref_slice %arg3[%add3A_41, %dma_start3A_54] : memref<327680x16xf32, #tpu.memory_space<hbm>> -> memref<128x16xf32, #tpu.memory_space<hbm>>
        tpu.enqueue_dma source(%dma_start3A_55 : memref<128x16xf32, #tpu.memory_space<hbm>>) target(%arg7 : memref<128x16xf32, #tpu.memory_space<vmem>>) target_semaphore(%run_scoped3A_52 : memref<!tpu.dma_semaphore, #tpu.memory_space<semaphore_mem>>)
        %dma_wait3A = arith.constant 0 : i32
        %dma_wait3A_56 = tpu.memref_slice %arg3[%add3A_41, %dma_wait3A] : memref<327680x16xf32, #tpu.memory_space<hbm>> -> memref<128x16xf32, #tpu.memory_space<hbm>>
        %dma_wait3A_57 = arith.constant 0 : i32
        %dma_wait3A_58 = tpu.memref_slice %arg3[%add3A_41, %dma_wait3A_57] : memref<327680x16xf32, #tpu.memory_space<hbm>> -> memref<128x16xf32, #tpu.memory_space<hbm>>
        tpu.wait_dma2 semaphore(%run_scoped3A_52 : memref<!tpu.dma_semaphore, #tpu.memory_space<semaphore_mem>>) src(%dma_wait3A_58 : memref<128x16xf32, #tpu.memory_space<hbm>>) dst(%arg7 : memref<128x16xf32, #tpu.memory_space<vmem>>)
        tpu.yield
      }) : () -> ()
      %scan3A_42 = arith.constant 0 : i32
      %scan3A_43 = arith.constant 8 : i32
      %scan3A_44 = arith.addi %scan3A_42, %scan3A_43 : i32
      %scan3A_45 = arith.constant 1 : i32
      scf.for %scan3A_52 = %scan3A_42 to %scan3A_44 step %scan3A_45  : i32 {
        %mul3A_53 = arith.constant 16 : i32
        %mul3A_54 = arith.muli %scan3A_52, %mul3A_53 : i32
        %add3A_55 = arith.constant 0 : i32
        %add3A_56 = arith.addi %add3A_55, %mul3A_54 : i32
        %get3A = arith.index_cast %add3A_38 : i32 to index
        %get3A_57 = arith.index_cast %add3A_56 : i32 to index
        %get3A_58 = tpu.vector_load %arg5[%get3A, %get3A_57] {strides = array<i32>} : memref<80x128xi32, #tpu.memory_space<vmem>>, vector<1x16xi32>,
        %get3A_59 = vector.shape_cast %get3A_58 : vector<1x16xi32> to vector<16xi32>
        %shift_right_logical3A = arith.constant 14 : i32
        %shift_right_logical3A_60 = vector.broadcast %shift_right_logical3A : i32 to vector<16xi32>
        %shift_right_logical3A_61 = arith.shrui %get3A_59, %shift_right_logical3A_60 : vector<16xi32>
        %swap3A = arith.constant 0 : i32
        %swap3A_62 = arith.index_cast %swap3A : i32 to index
        %swap3A_63 = arith.index_cast %add3A_56 : i32 to index
        %swap3A_64 = tpu.vector_load %arg6[%swap3A_62, %swap3A_63] {strides = array<i32>} : memref<1x128xi32, #tpu.memory_space<vmem>>, vector<1x16xi32>,
        %swap3A_65 = vector.shape_cast %swap3A_64 : vector<1x16xi32> to vector<16xi32>
        %swap3A_66 = vector.shape_cast %shift_right_logical3A_61 : vector<16xi32> to vector<1x16xi32>
        tpu.vector_store %arg6[%swap3A_62, %swap3A_63], %swap3A_66 {strides = array<i32>} : memref<1x128xi32, #tpu.memory_space<vmem>>, vector<1x16xi32>,
      }
      %scan3A_46 = arith.constant 8 : i32
      %scan3A_47 = arith.constant 0 : i32
      %scan3A_48 = arith.constant 128 : i32
      %scan3A_49 = arith.addi %scan3A_47, %scan3A_48 : i32
      %scan3A_50 = arith.constant 1 : i32
      scf.for %scan3A_52 = %scan3A_47 to %scan3A_49 step %scan3A_50  : i32 {
        %mul3A_53 = arith.constant 1 : i32
        %mul3A_54 = arith.muli %scan3A_52, %mul3A_53 : i32
        %add3A_55 = arith.constant 0 : i32
        %add3A_56 = arith.addi %add3A_55, %mul3A_54 : i32
        %get3A = arith.index_cast %add3A_56 : i32 to index
        %get3A_57 = arith.constant 0 : index
        %get3A_58 = tpu.vector_load %arg7[%get3A, %get3A_57] {strides = array<i32>} : memref<128x16xf32, #tpu.memory_space<vmem>>, vector<1x16xf32>,
        %get3A_59 = vector.shape_cast %get3A_58 : vector<1x16xf32> to vector<16xf32>
        %swap3A = arith.index_cast %add3A_56 : i32 to index
        %swap3A_60 = arith.constant 0 : index
        %swap3A_61 = tpu.vector_load %arg8[%swap3A, %swap3A_60] {strides = array<i32>} : memref<128x128xf32, #tpu.memory_space<vmem>>, vector<1x16xf32>,
        %swap3A_62 = vector.shape_cast %swap3A_61 : vector<1x16xf32> to vector<16xf32>
        %swap3A_63 = vector.shape_cast %get3A_59 : vector<16xf32> to vector<1x16xf32>
        tpu.vector_store %arg8[%swap3A, %swap3A_60], %swap3A_63 {strides = array<i32>} : memref<128x128xf32, #tpu.memory_space<vmem>>, vector<1x16xf32>,
      }
      %scan3A_51 = arith.constant 128 : i32
      %run_scoped3A = arith.constant 0 : i32
      "tpu.region"() ({
        %run_scoped3A_52 = tpu.sem_alloc : memref<!tpu.dma_semaphore, #tpu.memory_space<semaphore_mem>>
        %dma_start3A = arith.constant 0 : i32
        %dma_start3A_53 = tpu.memref_slice %arg6[%run_scoped3A, %dma_start3A] : memref<1x128xi32, #tpu.memory_space<vmem>> -> memref<1x128xi32, #tpu.memory_space<vmem>>
        %dma_start3A_54 = tpu.memref_squeeze %dma_start3A_53 : memref<1x128xi32, #tpu.memory_space<vmem>> -> memref<128xi32, #tpu.memory_space<vmem>>
        %dma_start3A_55 = arith.constant 0 : i32
        %dma_start3A_56 = arith.constant 0 : i32
        %dma_start3A_57 = tpu.memref_slice %arg9[%dma_start3A_55, %dma_start3A_56] : memref<10240x128xf32, #tpu.memory_space<vmem_shared>> -> memref<10240x128xf32, #tpu.memory_space<vmem_shared>>
        tpu.enqueue_indirect_dma source(%arg8 : memref<128x128xf32, #tpu.memory_space<vmem>>) target(%dma_start3A_57 : memref<10240x128xf32, #tpu.memory_space<vmem_shared>>) offsets(%dma_start3A_54 : memref<128xi32, #tpu.memory_space<vmem>>) semaphore(%run_scoped3A_52 : memref<!tpu.dma_semaphore, #tpu.memory_space<semaphore_mem>>) {add = true}
        %dma_wait3A = arith.constant 0 : i32
        %dma_wait3A_58 = tpu.memref_slice %arg6[%run_scoped3A, %dma_wait3A] : memref<1x128xi32, #tpu.memory_space<vmem>> -> memref<1x128xi32, #tpu.memory_space<vmem>>
        %dma_wait3A_59 = tpu.memref_squeeze %dma_wait3A_58 : memref<1x128xi32, #tpu.memory_space<vmem>> -> memref<128xi32, #tpu.memory_space<vmem>>
        %dma_wait3A_60 = arith.constant 0 : i32
        %dma_wait3A_61 = arith.constant 0 : i32
        %dma_wait3A_62 = tpu.memref_slice %arg9[%dma_wait3A_60, %dma_wait3A_61] : memref<10240x128xf32, #tpu.memory_space<vmem_shared>> -> memref<10240x128xf32, #tpu.memory_space<vmem_shared>>
        tpu.wait_indirect_dma semaphore(%run_scoped3A_52 : memref<!tpu.dma_semaphore, #tpu.memory_space<semaphore_mem>>) src(%arg8 : memref<128x128xf32, #tpu.memory_space<vmem>>) dst(%dma_wait3A_62 : memref<10240x128xf32, #tpu.memory_space<vmem_shared>>)
        tpu.yield
      }) : () -> ()
    }
    %scan3A_32 = arith.constant 80 : i32
    %barrier3A_33 = arith.constant 0 : index
    tpu.barrier barrier_id(%barrier3A_33)
    "tpu.region"() ({
      %run_scoped3A = tpu.sem_alloc : memref<!tpu.dma_semaphore, #tpu.memory_space<semaphore_mem>>
      %dma_start3A = arith.constant 0 : i32
      %dma_start3A_34 = tpu.memref_slice %arg4[%arg0, %mul3A_2, %dma_start3A] : memref<2x10240x128xf32, #tpu.memory_space<hbm>> -> memref<1x640x128xf32, #tpu.memory_space<hbm>>
      %dma_start3A_35 = tpu.memref_squeeze %dma_start3A_34 : memref<1x640x128xf32, #tpu.memory_space<hbm>> -> memref<640x128xf32, #tpu.memory_space<hbm>>
      %dma_start3A_36 = arith.constant 0 : i32
      %dma_start3A_37 = tpu.memref_slice %arg9[%mul3A_2, %dma_start3A_36] : memref<10240x128xf32, #tpu.memory_space<vmem_shared>> -> memref<640x128xf32, #tpu.memory_space<vmem_shared>>
      tpu.enqueue_dma source(%dma_start3A_37 : memref<640x128xf32, #tpu.memory_space<vmem_shared>>) target(%dma_start3A_35 : memref<640x128xf32, #tpu.memory_space<hbm>>) target_semaphore(%run_scoped3A : memref<!tpu.dma_semaphore, #tpu.memory_space<semaphore_mem>>)
      %dma_wait3A = arith.constant 0 : i32
      %dma_wait3A_38 = tpu.memref_slice %arg4[%arg0, %mul3A_2, %dma_wait3A] : memref<2x10240x128xf32, #tpu.memory_space<hbm>> -> memref<1x640x128xf32, #tpu.memory_space<hbm>>
      %dma_wait3A_39 = tpu.memref_squeeze %dma_wait3A_38 : memref<1x640x128xf32, #tpu.memory_space<hbm>> -> memref<640x128xf32, #tpu.memory_space<hbm>>
      %dma_wait3A_40 = arith.constant 0 : i32
      %dma_wait3A_41 = tpu.memref_slice %arg9[%mul3A_2, %dma_wait3A_40] : memref<10240x128xf32, #tpu.memory_space<vmem_shared>> -> memref<640x128xf32, #tpu.memory_space<vmem_shared>>
      tpu.wait_dma2 semaphore(%run_scoped3A : memref<!tpu.dma_semaphore, #tpu.memory_space<semaphore_mem>>) src(%dma_wait3A_41 : memref<640x128xf32, #tpu.memory_space<vmem_shared>>) dst(%dma_wait3A_39 : memref<640x128xf32, #tpu.memory_space<hbm>>)
      tpu.yield
    }) : () -> ()
    return
  }
}

#map = affine_map<(d0, d1) -> (0, 0)>
#map1 = affine_map<(d0, d1) -> (0, 0, 0)>
module attributes {stable_mosaic.version = 14 : i64} {
  func.func @body(%arg0: i32, %arg1: i32, %arg2: memref<10240x128xf32, #tpu.memory_space<hbm>>, %arg3: memref<32x80x128xi32, #tpu.memory_space<hbm>>, %arg4: memref<32x80x128xi32, #tpu.memory_space<hbm>>, %arg5: memref<2x10240x128xf32, #tpu.memory_space<hbm>>, %arg6: memref<80x128xi32, #tpu.memory_space<vmem>>, %arg7: memref<80x128xi32, #tpu.memory_space<vmem>>, %arg8: memref<128x128xf32, #tpu.memory_space<vmem>>, %arg9: memref<10240x128xf32, #tpu.memory_space<vmem_shared>>) attributes {dimension_semantics = [#tpu.dimension_semantics<core_parallel>, #tpu.dimension_semantics<subcore_parallel>], iteration_bounds = array<i64: 2, 16>, scalar_prefetch = 0 : i64, scratch_operands = 4 : i64, tpu.core_type = #tpu.core_type<sc_vector_subcore>, window_params = [{transform_indices = #map}, {transform_indices = #map1}, {transform_indices = #map1}, {transform_indices = #map1}]} {
    %mul3A = arith.constant 16 : i32
    %mul3A_0 = arith.muli %arg0, %mul3A : i32
    %add3A = arith.addi %mul3A_0, %arg1 : i32
    %mul3A_1 = arith.constant 640 : i32
    %mul3A_2 = arith.muli %arg1, %mul3A_1 : i32
    %scan3A = arith.constant 0 : i32
    %scan3A_3 = arith.constant 128 : i32
    %scan3A_4 = arith.addi %scan3A, %scan3A_3 : i32
    %scan3A_5 = arith.constant 1 : i32
    scf.for %scan3A_23 = %scan3A to %scan3A_4 step %scan3A_5  : i32 {
      %mul3A_24 = arith.constant 1 : i32
      %mul3A_25 = arith.muli %scan3A_23, %mul3A_24 : i32
      %add3A_26 = arith.constant 0 : i32
      %add3A_27 = arith.addi %add3A_26, %mul3A_25 : i32
      %scan3A_28 = arith.constant 0 : i32
      %scan3A_29 = arith.constant 8 : i32
      %scan3A_30 = arith.addi %scan3A_28, %scan3A_29 : i32
      %scan3A_31 = arith.constant 1 : i32
      scf.for %scan3A_33 = %scan3A_28 to %scan3A_30 step %scan3A_31  : i32 {
        %mul3A_34 = arith.constant 16 : i32
        %mul3A_35 = arith.muli %scan3A_33, %mul3A_34 : i32
        %add3A_36 = arith.constant 0 : i32
        %add3A_37 = arith.addi %add3A_36, %mul3A_35 : i32
        %broadcast_in_dim3A = arith.constant 0.000000e+00 : f32
        %broadcast_in_dim3A_38 = vector.broadcast %broadcast_in_dim3A : f32 to vector<16xf32>
        %swap3A = arith.index_cast %add3A_27 : i32 to index
        %swap3A_39 = arith.index_cast %add3A_37 : i32 to index
        %swap3A_40 = tpu.vector_load %arg8[%swap3A, %swap3A_39] {strides = array<i32>} : memref<128x128xf32, #tpu.memory_space<vmem>>, vector<1x16xf32>,
        %swap3A_41 = vector.shape_cast %swap3A_40 : vector<1x16xf32> to vector<16xf32>
        %swap3A_42 = vector.shape_cast %broadcast_in_dim3A_38 : vector<16xf32> to vector<1x16xf32>
        tpu.vector_store %arg8[%swap3A, %swap3A_39], %swap3A_42 {strides = array<i32>} : memref<128x128xf32, #tpu.memory_space<vmem>>, vector<1x16xf32>,
      }
      %scan3A_32 = arith.constant 8 : i32
    }
    %scan3A_6 = arith.constant 128 : i32
    %add3A_7 = arith.constant 0 : i32
    %add3A_8 = arith.addi %mul3A_2, %add3A_7 : i32
    "tpu.region"() ({
      %run_scoped3A = tpu.sem_alloc : memref<!tpu.dma_semaphore, #tpu.memory_space<semaphore_mem>>
      %dma_start3A = arith.constant 0 : i32
      %dma_start3A_23 = tpu.memref_slice %arg9[%add3A_8, %dma_start3A] : memref<10240x128xf32, #tpu.memory_space<vmem_shared>> -> memref<128x128xf32, #tpu.memory_space<vmem_shared>>
      %dma_start3A_24 = arith.constant 0 : i32
      %dma_start3A_25 = tpu.memref_slice %arg9[%add3A_8, %dma_start3A_24] : memref<10240x128xf32, #tpu.memory_space<vmem_shared>> -> memref<128x128xf32, #tpu.memory_space<vmem_shared>>
      tpu.enqueue_dma source(%arg8 : memref<128x128xf32, #tpu.memory_space<vmem>>) target(%dma_start3A_25 : memref<128x128xf32, #tpu.memory_space<vmem_shared>>) target_semaphore(%run_scoped3A : memref<!tpu.dma_semaphore, #tpu.memory_space<semaphore_mem>>)
      %dma_wait3A = arith.constant 0 : i32
      %dma_wait3A_26 = tpu.memref_slice %arg9[%add3A_8, %dma_wait3A] : memref<10240x128xf32, #tpu.memory_space<vmem_shared>> -> memref<128x128xf32, #tpu.memory_space<vmem_shared>>
      %dma_wait3A_27 = arith.constant 0 : i32
      %dma_wait3A_28 = tpu.memref_slice %arg9[%add3A_8, %dma_wait3A_27] : memref<10240x128xf32, #tpu.memory_space<vmem_shared>> -> memref<128x128xf32, #tpu.memory_space<vmem_shared>>
      tpu.wait_dma2 semaphore(%run_scoped3A : memref<!tpu.dma_semaphore, #tpu.memory_space<semaphore_mem>>) src(%arg8 : memref<128x128xf32, #tpu.memory_space<vmem>>) dst(%dma_wait3A_28 : memref<128x128xf32, #tpu.memory_space<vmem_shared>>)
      tpu.yield
    }) : () -> ()
    %add3A_9 = arith.constant 128 : i32
    %add3A_10 = arith.addi %mul3A_2, %add3A_9 : i32
    "tpu.region"() ({
      %run_scoped3A = tpu.sem_alloc : memref<!tpu.dma_semaphore, #tpu.memory_space<semaphore_mem>>
      %dma_start3A = arith.constant 0 : i32
      %dma_start3A_23 = tpu.memref_slice %arg9[%add3A_10, %dma_start3A] : memref<10240x128xf32, #tpu.memory_space<vmem_shared>> -> memref<128x128xf32, #tpu.memory_space<vmem_shared>>
      %dma_start3A_24 = arith.constant 0 : i32
      %dma_start3A_25 = tpu.memref_slice %arg9[%add3A_10, %dma_start3A_24] : memref<10240x128xf32, #tpu.memory_space<vmem_shared>> -> memref<128x128xf32, #tpu.memory_space<vmem_shared>>
      tpu.enqueue_dma source(%arg8 : memref<128x128xf32, #tpu.memory_space<vmem>>) target(%dma_start3A_25 : memref<128x128xf32, #tpu.memory_space<vmem_shared>>) target_semaphore(%run_scoped3A : memref<!tpu.dma_semaphore, #tpu.memory_space<semaphore_mem>>)
      %dma_wait3A = arith.constant 0 : i32
      %dma_wait3A_26 = tpu.memref_slice %arg9[%add3A_10, %dma_wait3A] : memref<10240x128xf32, #tpu.memory_space<vmem_shared>> -> memref<128x128xf32, #tpu.memory_space<vmem_shared>>
      %dma_wait3A_27 = arith.constant 0 : i32
      %dma_wait3A_28 = tpu.memref_slice %arg9[%add3A_10, %dma_wait3A_27] : memref<10240x128xf32, #tpu.memory_space<vmem_shared>> -> memref<128x128xf32, #tpu.memory_space<vmem_shared>>
      tpu.wait_dma2 semaphore(%run_scoped3A : memref<!tpu.dma_semaphore, #tpu.memory_space<semaphore_mem>>) src(%arg8 : memref<128x128xf32, #tpu.memory_space<vmem>>) dst(%dma_wait3A_28 : memref<128x128xf32, #tpu.memory_space<vmem_shared>>)
      tpu.yield
    }) : () -> ()
    %add3A_11 = arith.constant 256 : i32
    %add3A_12 = arith.addi %mul3A_2, %add3A_11 : i32
    "tpu.region"() ({
      %run_scoped3A = tpu.sem_alloc : memref<!tpu.dma_semaphore, #tpu.memory_space<semaphore_mem>>
      %dma_start3A = arith.constant 0 : i32
      %dma_start3A_23 = tpu.memref_slice %arg9[%add3A_12, %dma_start3A] : memref<10240x128xf32, #tpu.memory_space<vmem_shared>> -> memref<128x128xf32, #tpu.memory_space<vmem_shared>>
      %dma_start3A_24 = arith.constant 0 : i32
      %dma_start3A_25 = tpu.memref_slice %arg9[%add3A_12, %dma_start3A_24] : memref<10240x128xf32, #tpu.memory_space<vmem_shared>> -> memref<128x128xf32, #tpu.memory_space<vmem_shared>>
      tpu.enqueue_dma source(%arg8 : memref<128x128xf32, #tpu.memory_space<vmem>>) target(%dma_start3A_25 : memref<128x128xf32, #tpu.memory_space<vmem_shared>>) target_semaphore(%run_scoped3A : memref<!tpu.dma_semaphore, #tpu.memory_space<semaphore_mem>>)
      %dma_wait3A = arith.constant 0 : i32
      %dma_wait3A_26 = tpu.memref_slice %arg9[%add3A_12, %dma_wait3A] : memref<10240x128xf32, #tpu.memory_space<vmem_shared>> -> memref<128x128xf32, #tpu.memory_space<vmem_shared>>
      %dma_wait3A_27 = arith.constant 0 : i32
      %dma_wait3A_28 = tpu.memref_slice %arg9[%add3A_12, %dma_wait3A_27] : memref<10240x128xf32, #tpu.memory_space<vmem_shared>> -> memref<128x128xf32, #tpu.memory_space<vmem_shared>>
      tpu.wait_dma2 semaphore(%run_scoped3A : memref<!tpu.dma_semaphore, #tpu.memory_space<semaphore_mem>>) src(%arg8 : memref<128x128xf32, #tpu.memory_space<vmem>>) dst(%dma_wait3A_28 : memref<128x128xf32, #tpu.memory_space<vmem_shared>>)
      tpu.yield
    }) : () -> ()
    %add3A_13 = arith.constant 384 : i32
    %add3A_14 = arith.addi %mul3A_2, %add3A_13 : i32
    "tpu.region"() ({
      %run_scoped3A = tpu.sem_alloc : memref<!tpu.dma_semaphore, #tpu.memory_space<semaphore_mem>>
      %dma_start3A = arith.constant 0 : i32
      %dma_start3A_23 = tpu.memref_slice %arg9[%add3A_14, %dma_start3A] : memref<10240x128xf32, #tpu.memory_space<vmem_shared>> -> memref<128x128xf32, #tpu.memory_space<vmem_shared>>
      %dma_start3A_24 = arith.constant 0 : i32
      %dma_start3A_25 = tpu.memref_slice %arg9[%add3A_14, %dma_start3A_24] : memref<10240x128xf32, #tpu.memory_space<vmem_shared>> -> memref<128x128xf32, #tpu.memory_space<vmem_shared>>
      tpu.enqueue_dma source(%arg8 : memref<128x128xf32, #tpu.memory_space<vmem>>) target(%dma_start3A_25 : memref<128x128xf32, #tpu.memory_space<vmem_shared>>) target_semaphore(%run_scoped3A : memref<!tpu.dma_semaphore, #tpu.memory_space<semaphore_mem>>)
      %dma_wait3A = arith.constant 0 : i32
      %dma_wait3A_26 = tpu.memref_slice %arg9[%add3A_14, %dma_wait3A] : memref<10240x128xf32, #tpu.memory_space<vmem_shared>> -> memref<128x128xf32, #tpu.memory_space<vmem_shared>>
      %dma_wait3A_27 = arith.constant 0 : i32
      %dma_wait3A_28 = tpu.memref_slice %arg9[%add3A_14, %dma_wait3A_27] : memref<10240x128xf32, #tpu.memory_space<vmem_shared>> -> memref<128x128xf32, #tpu.memory_space<vmem_shared>>
      tpu.wait_dma2 semaphore(%run_scoped3A : memref<!tpu.dma_semaphore, #tpu.memory_space<semaphore_mem>>) src(%arg8 : memref<128x128xf32, #tpu.memory_space<vmem>>) dst(%dma_wait3A_28 : memref<128x128xf32, #tpu.memory_space<vmem_shared>>)
      tpu.yield
    }) : () -> ()
    %add3A_15 = arith.constant 512 : i32
    %add3A_16 = arith.addi %mul3A_2, %add3A_15 : i32
    "tpu.region"() ({
      %run_scoped3A = tpu.sem_alloc : memref<!tpu.dma_semaphore, #tpu.memory_space<semaphore_mem>>
      %dma_start3A = arith.constant 0 : i32
      %dma_start3A_23 = tpu.memref_slice %arg9[%add3A_16, %dma_start3A] : memref<10240x128xf32, #tpu.memory_space<vmem_shared>> -> memref<128x128xf32, #tpu.memory_space<vmem_shared>>
      %dma_start3A_24 = arith.constant 0 : i32
      %dma_start3A_25 = tpu.memref_slice %arg9[%add3A_16, %dma_start3A_24] : memref<10240x128xf32, #tpu.memory_space<vmem_shared>> -> memref<128x128xf32, #tpu.memory_space<vmem_shared>>
      tpu.enqueue_dma source(%arg8 : memref<128x128xf32, #tpu.memory_space<vmem>>) target(%dma_start3A_25 : memref<128x128xf32, #tpu.memory_space<vmem_shared>>) target_semaphore(%run_scoped3A : memref<!tpu.dma_semaphore, #tpu.memory_space<semaphore_mem>>)
      %dma_wait3A = arith.constant 0 : i32
      %dma_wait3A_26 = tpu.memref_slice %arg9[%add3A_16, %dma_wait3A] : memref<10240x128xf32, #tpu.memory_space<vmem_shared>> -> memref<128x128xf32, #tpu.memory_space<vmem_shared>>
      %dma_wait3A_27 = arith.constant 0 : i32
      %dma_wait3A_28 = tpu.memref_slice %arg9[%add3A_16, %dma_wait3A_27] : memref<10240x128xf32, #tpu.memory_space<vmem_shared>> -> memref<128x128xf32, #tpu.memory_space<vmem_shared>>
      tpu.wait_dma2 semaphore(%run_scoped3A : memref<!tpu.dma_semaphore, #tpu.memory_space<semaphore_mem>>) src(%arg8 : memref<128x128xf32, #tpu.memory_space<vmem>>) dst(%dma_wait3A_28 : memref<128x128xf32, #tpu.memory_space<vmem_shared>>)
      tpu.yield
    }) : () -> ()
    "tpu.region"() ({
      %run_scoped3A = tpu.sem_alloc : memref<!tpu.dma_semaphore, #tpu.memory_space<semaphore_mem>>
      %dma_start3A = arith.constant 0 : i32
      %dma_start3A_23 = arith.constant 0 : i32
      %dma_start3A_24 = tpu.memref_slice %arg3[%add3A, %dma_start3A, %dma_start3A_23] : memref<32x80x128xi32, #tpu.memory_space<hbm>> -> memref<1x80x128xi32, #tpu.memory_space<hbm>>
      %dma_start3A_25 = tpu.memref_squeeze %dma_start3A_24 : memref<1x80x128xi32, #tpu.memory_space<hbm>> -> memref<80x128xi32, #tpu.memory_space<hbm>>
      %dma_start3A_26 = arith.constant 0 : i32
      %dma_start3A_27 = arith.constant 0 : i32
      %dma_start3A_28 = tpu.memref_slice %arg3[%add3A, %dma_start3A_26, %dma_start3A_27] : memref<32x80x128xi32, #tpu.memory_space<hbm>> -> memref<1x80x128xi32, #tpu.memory_space<hbm>>
      %dma_start3A_29 = tpu.memref_squeeze %dma_start3A_28 : memref<1x80x128xi32, #tpu.memory_space<hbm>> -> memref<80x128xi32, #tpu.memory_space<hbm>>
      tpu.enqueue_dma source(%dma_start3A_29 : memref<80x128xi32, #tpu.memory_space<hbm>>) target(%arg6 : memref<80x128xi32, #tpu.memory_space<vmem>>) target_semaphore(%run_scoped3A : memref<!tpu.dma_semaphore, #tpu.memory_space<semaphore_mem>>)
      %dma_wait3A = arith.constant 0 : i32
      %dma_wait3A_30 = arith.constant 0 : i32
      %dma_wait3A_31 = tpu.memref_slice %arg3[%add3A, %dma_wait3A, %dma_wait3A_30] : memref<32x80x128xi32, #tpu.memory_space<hbm>> -> memref<1x80x128xi32, #tpu.memory_space<hbm>>
      %dma_wait3A_32 = tpu.memref_squeeze %dma_wait3A_31 : memref<1x80x128xi32, #tpu.memory_space<hbm>> -> memref<80x128xi32, #tpu.memory_space<hbm>>
      %dma_wait3A_33 = arith.constant 0 : i32
      %dma_wait3A_34 = arith.constant 0 : i32
      %dma_wait3A_35 = tpu.memref_slice %arg3[%add3A, %dma_wait3A_33, %dma_wait3A_34] : memref<32x80x128xi32, #tpu.memory_space<hbm>> -> memref<1x80x128xi32, #tpu.memory_space<hbm>>
      %dma_wait3A_36 = tpu.memref_squeeze %dma_wait3A_35 : memref<1x80x128xi32, #tpu.memory_space<hbm>> -> memref<80x128xi32, #tpu.memory_space<hbm>>
      tpu.wait_dma2 semaphore(%run_scoped3A : memref<!tpu.dma_semaphore, #tpu.memory_space<semaphore_mem>>) src(%dma_wait3A_36 : memref<80x128xi32, #tpu.memory_space<hbm>>) dst(%arg6 : memref<80x128xi32, #tpu.memory_space<vmem>>)
      tpu.yield
    }) : () -> ()
    "tpu.region"() ({
      %run_scoped3A = tpu.sem_alloc : memref<!tpu.dma_semaphore, #tpu.memory_space<semaphore_mem>>
      %dma_start3A = arith.constant 0 : i32
      %dma_start3A_23 = arith.constant 0 : i32
      %dma_start3A_24 = tpu.memref_slice %arg4[%add3A, %dma_start3A, %dma_start3A_23] : memref<32x80x128xi32, #tpu.memory_space<hbm>> -> memref<1x80x128xi32, #tpu.memory_space<hbm>>
      %dma_start3A_25 = tpu.memref_squeeze %dma_start3A_24 : memref<1x80x128xi32, #tpu.memory_space<hbm>> -> memref<80x128xi32, #tpu.memory_space<hbm>>
      %dma_start3A_26 = arith.constant 0 : i32
      %dma_start3A_27 = arith.constant 0 : i32
      %dma_start3A_28 = tpu.memref_slice %arg4[%add3A, %dma_start3A_26, %dma_start3A_27] : memref<32x80x128xi32, #tpu.memory_space<hbm>> -> memref<1x80x128xi32, #tpu.memory_space<hbm>>
      %dma_start3A_29 = tpu.memref_squeeze %dma_start3A_28 : memref<1x80x128xi32, #tpu.memory_space<hbm>> -> memref<80x128xi32, #tpu.memory_space<hbm>>
      tpu.enqueue_dma source(%dma_start3A_29 : memref<80x128xi32, #tpu.memory_space<hbm>>) target(%arg7 : memref<80x128xi32, #tpu.memory_space<vmem>>) target_semaphore(%run_scoped3A : memref<!tpu.dma_semaphore, #tpu.memory_space<semaphore_mem>>)
      %dma_wait3A = arith.constant 0 : i32
      %dma_wait3A_30 = arith.constant 0 : i32
      %dma_wait3A_31 = tpu.memref_slice %arg4[%add3A, %dma_wait3A, %dma_wait3A_30] : memref<32x80x128xi32, #tpu.memory_space<hbm>> -> memref<1x80x128xi32, #tpu.memory_space<hbm>>
      %dma_wait3A_32 = tpu.memref_squeeze %dma_wait3A_31 : memref<1x80x128xi32, #tpu.memory_space<hbm>> -> memref<80x128xi32, #tpu.memory_space<hbm>>
      %dma_wait3A_33 = arith.constant 0 : i32
      %dma_wait3A_34 = arith.constant 0 : i32
      %dma_wait3A_35 = tpu.memref_slice %arg4[%add3A, %dma_wait3A_33, %dma_wait3A_34] : memref<32x80x128xi32, #tpu.memory_space<hbm>> -> memref<1x80x128xi32, #tpu.memory_space<hbm>>
      %dma_wait3A_36 = tpu.memref_squeeze %dma_wait3A_35 : memref<1x80x128xi32, #tpu.memory_space<hbm>> -> memref<80x128xi32, #tpu.memory_space<hbm>>
      tpu.wait_dma2 semaphore(%run_scoped3A : memref<!tpu.dma_semaphore, #tpu.memory_space<semaphore_mem>>) src(%dma_wait3A_36 : memref<80x128xi32, #tpu.memory_space<hbm>>) dst(%arg7 : memref<80x128xi32, #tpu.memory_space<vmem>>)
      tpu.yield
    }) : () -> ()
    %barrier3A = arith.constant 0 : index
    tpu.barrier barrier_id(%barrier3A)
    %scan3A_17 = arith.constant 0 : i32
    %scan3A_18 = arith.constant 80 : i32
    %scan3A_19 = arith.addi %scan3A_17, %scan3A_18 : i32
    %scan3A_20 = arith.constant 1 : i32
    scf.for %scan3A_23 = %scan3A_17 to %scan3A_19 step %scan3A_20  : i32 {
      %mul3A_24 = arith.constant 1 : i32
      %mul3A_25 = arith.muli %scan3A_23, %mul3A_24 : i32
      %add3A_26 = arith.constant 0 : i32
      %add3A_27 = arith.addi %add3A_26, %mul3A_25 : i32
      "tpu.region"() ({
        %run_scoped3A = tpu.sem_alloc : memref<!tpu.dma_semaphore, #tpu.memory_space<semaphore_mem>>
        %dma_start3A = arith.constant 0 : i32
        %dma_start3A_28 = tpu.memref_slice %arg6[%add3A_27, %dma_start3A] : memref<80x128xi32, #tpu.memory_space<vmem>> -> memref<1x128xi32, #tpu.memory_space<vmem>>
        %dma_start3A_29 = tpu.memref_squeeze %dma_start3A_28 : memref<1x128xi32, #tpu.memory_space<vmem>> -> memref<128xi32, #tpu.memory_space<vmem>>
        %dma_start3A_30 = arith.constant 0 : i32
        %dma_start3A_31 = arith.constant 0 : i32
        %dma_start3A_32 = tpu.memref_slice %arg2[%dma_start3A_30, %dma_start3A_31] : memref<10240x128xf32, #tpu.memory_space<hbm>> -> memref<10240x128xf32, #tpu.memory_space<hbm>>
        tpu.enqueue_indirect_dma source(%dma_start3A_32 : memref<10240x128xf32, #tpu.memory_space<hbm>>) target(%arg8 : memref<128x128xf32, #tpu.memory_space<vmem>>) offsets(%dma_start3A_29 : memref<128xi32, #tpu.memory_space<vmem>>) semaphore(%run_scoped3A : memref<!tpu.dma_semaphore, #tpu.memory_space<semaphore_mem>>)
        %dma_wait3A = arith.constant 0 : i32
        %dma_wait3A_33 = tpu.memref_slice %arg6[%add3A_27, %dma_wait3A] : memref<80x128xi32, #tpu.memory_space<vmem>> -> memref<1x128xi32, #tpu.memory_space<vmem>>
        %dma_wait3A_34 = tpu.memref_squeeze %dma_wait3A_33 : memref<1x128xi32, #tpu.memory_space<vmem>> -> memref<128xi32, #tpu.memory_space<vmem>>
        %dma_wait3A_35 = arith.constant 0 : i32
        %dma_wait3A_36 = arith.constant 0 : i32
        %dma_wait3A_37 = tpu.memref_slice %arg2[%dma_wait3A_35, %dma_wait3A_36] : memref<10240x128xf32, #tpu.memory_space<hbm>> -> memref<10240x128xf32, #tpu.memory_space<hbm>>
        tpu.wait_indirect_dma semaphore(%run_scoped3A : memref<!tpu.dma_semaphore, #tpu.memory_space<semaphore_mem>>) src(%dma_wait3A_37 : memref<10240x128xf32, #tpu.memory_space<hbm>>) dst(%arg8 : memref<128x128xf32, #tpu.memory_space<vmem>>)
        tpu.yield
      }) : () -> ()
      "tpu.region"() ({
        %run_scoped3A = tpu.sem_alloc : memref<!tpu.dma_semaphore, #tpu.memory_space<semaphore_mem>>
        %dma_start3A = arith.constant 0 : i32
        %dma_start3A_28 = tpu.memref_slice %arg7[%add3A_27, %dma_start3A] : memref<80x128xi32, #tpu.memory_space<vmem>> -> memref<1x128xi32, #tpu.memory_space<vmem>>
        %dma_start3A_29 = tpu.memref_squeeze %dma_start3A_28 : memref<1x128xi32, #tpu.memory_space<vmem>> -> memref<128xi32, #tpu.memory_space<vmem>>
        %dma_start3A_30 = arith.constant 0 : i32
        %dma_start3A_31 = arith.constant 0 : i32
        %dma_start3A_32 = tpu.memref_slice %arg9[%dma_start3A_30, %dma_start3A_31] : memref<10240x128xf32, #tpu.memory_space<vmem_shared>> -> memref<10240x128xf32, #tpu.memory_space<vmem_shared>>
        tpu.enqueue_indirect_dma source(%arg8 : memref<128x128xf32, #tpu.memory_space<vmem>>) target(%dma_start3A_32 : memref<10240x128xf32, #tpu.memory_space<vmem_shared>>) offsets(%dma_start3A_29 : memref<128xi32, #tpu.memory_space<vmem>>) semaphore(%run_scoped3A : memref<!tpu.dma_semaphore, #tpu.memory_space<semaphore_mem>>) {add = true}
        %dma_wait3A = arith.constant 0 : i32
        %dma_wait3A_33 = tpu.memref_slice %arg7[%add3A_27, %dma_wait3A] : memref<80x128xi32, #tpu.memory_space<vmem>> -> memref<1x128xi32, #tpu.memory_space<vmem>>
        %dma_wait3A_34 = tpu.memref_squeeze %dma_wait3A_33 : memref<1x128xi32, #tpu.memory_space<vmem>> -> memref<128xi32, #tpu.memory_space<vmem>>
        %dma_wait3A_35 = arith.constant 0 : i32
        %dma_wait3A_36 = arith.constant 0 : i32
        %dma_wait3A_37 = tpu.memref_slice %arg9[%dma_wait3A_35, %dma_wait3A_36] : memref<10240x128xf32, #tpu.memory_space<vmem_shared>> -> memref<10240x128xf32, #tpu.memory_space<vmem_shared>>
        tpu.wait_indirect_dma semaphore(%run_scoped3A : memref<!tpu.dma_semaphore, #tpu.memory_space<semaphore_mem>>) src(%arg8 : memref<128x128xf32, #tpu.memory_space<vmem>>) dst(%dma_wait3A_37 : memref<10240x128xf32, #tpu.memory_space<vmem_shared>>)
        tpu.yield
      }) : () -> ()
    }
    %scan3A_21 = arith.constant 80 : i32
    %barrier3A_22 = arith.constant 0 : index
    tpu.barrier barrier_id(%barrier3A_22)
    "tpu.region"() ({
      %run_scoped3A = tpu.sem_alloc : memref<!tpu.dma_semaphore, #tpu.memory_space<semaphore_mem>>
      %dma_start3A = arith.constant 0 : i32
      %dma_start3A_23 = tpu.memref_slice %arg5[%arg0, %mul3A_2, %dma_start3A] : memref<2x10240x128xf32, #tpu.memory_space<hbm>> -> memref<1x640x128xf32, #tpu.memory_space<hbm>>
      %dma_start3A_24 = tpu.memref_squeeze %dma_start3A_23 : memref<1x640x128xf32, #tpu.memory_space<hbm>> -> memref<640x128xf32, #tpu.memory_space<hbm>>
      %dma_start3A_25 = arith.constant 0 : i32
      %dma_start3A_26 = tpu.memref_slice %arg9[%mul3A_2, %dma_start3A_25] : memref<10240x128xf32, #tpu.memory_space<vmem_shared>> -> memref<640x128xf32, #tpu.memory_space<vmem_shared>>
      tpu.enqueue_dma source(%dma_start3A_26 : memref<640x128xf32, #tpu.memory_space<vmem_shared>>) target(%dma_start3A_24 : memref<640x128xf32, #tpu.memory_space<hbm>>) target_semaphore(%run_scoped3A : memref<!tpu.dma_semaphore, #tpu.memory_space<semaphore_mem>>)
      %dma_wait3A = arith.constant 0 : i32
      %dma_wait3A_27 = tpu.memref_slice %arg5[%arg0, %mul3A_2, %dma_wait3A] : memref<2x10240x128xf32, #tpu.memory_space<hbm>> -> memref<1x640x128xf32, #tpu.memory_space<hbm>>
      %dma_wait3A_28 = tpu.memref_squeeze %dma_wait3A_27 : memref<1x640x128xf32, #tpu.memory_space<hbm>> -> memref<640x128xf32, #tpu.memory_space<hbm>>
      %dma_wait3A_29 = arith.constant 0 : i32
      %dma_wait3A_30 = tpu.memref_slice %arg9[%mul3A_2, %dma_wait3A_29] : memref<10240x128xf32, #tpu.memory_space<vmem_shared>> -> memref<640x128xf32, #tpu.memory_space<vmem_shared>>
      tpu.wait_dma2 semaphore(%run_scoped3A : memref<!tpu.dma_semaphore, #tpu.memory_space<semaphore_mem>>) src(%dma_wait3A_30 : memref<640x128xf32, #tpu.memory_space<vmem_shared>>) dst(%dma_wait3A_28 : memref<640x128xf32, #tpu.memory_space<hbm>>)
      tpu.yield
    }) : () -> ()
    return
  }
}

#map = affine_map<(d0, d1) -> (0, 0)>
#map1 = affine_map<(d0, d1) -> (0, 0, 0)>
module attributes {stable_mosaic.version = 14 : i64} {
  func.func @body(%arg0: i32, %arg1: i32, %arg2: memref<10240x128xf32, #tpu.memory_space<hbm>>, %arg3: memref<32x80x128xi32, #tpu.memory_space<hbm>>, %arg4: memref<32x80x128xi32, #tpu.memory_space<hbm>>, %arg5: memref<2x10240x128xf32, #tpu.memory_space<hbm>>, %arg6: memref<80x128xi32, #tpu.memory_space<vmem>>, %arg7: memref<80x128xi32, #tpu.memory_space<vmem>>, %arg8: memref<128x128xf32, #tpu.memory_space<vmem>>, %arg9: memref<10240x128xf32, #tpu.memory_space<vmem_shared>>) attributes {dimension_semantics = [#tpu.dimension_semantics<core_parallel>, #tpu.dimension_semantics<subcore_parallel>], iteration_bounds = array<i64: 2, 16>, scalar_prefetch = 0 : i64, scratch_operands = 4 : i64, tpu.core_type = #tpu.core_type<sc_vector_subcore>, window_params = [{transform_indices = #map}, {transform_indices = #map1}, {transform_indices = #map1}, {transform_indices = #map1}]} {
    %mul3A = arith.constant 16 : i32
    %mul3A_0 = arith.muli %arg0, %mul3A : i32
    %add3A = arith.addi %mul3A_0, %arg1 : i32
    %mul3A_1 = arith.constant 640 : i32
    %mul3A_2 = arith.muli %arg1, %mul3A_1 : i32
    %scan3A = arith.constant 0 : i32
    %scan3A_3 = arith.constant 128 : i32
    %scan3A_4 = arith.addi %scan3A, %scan3A_3 : i32
    %scan3A_5 = arith.constant 1 : i32
    scf.for %scan3A_23 = %scan3A to %scan3A_4 step %scan3A_5  : i32 {
      %mul3A_24 = arith.constant 1 : i32
      %mul3A_25 = arith.muli %scan3A_23, %mul3A_24 : i32
      %add3A_26 = arith.constant 0 : i32
      %add3A_27 = arith.addi %add3A_26, %mul3A_25 : i32
      %scan3A_28 = arith.constant 0 : i32
      %scan3A_29 = arith.constant 8 : i32
      %scan3A_30 = arith.addi %scan3A_28, %scan3A_29 : i32
      %scan3A_31 = arith.constant 1 : i32
      scf.for %scan3A_33 = %scan3A_28 to %scan3A_30 step %scan3A_31  : i32 {
        %mul3A_34 = arith.constant 16 : i32
        %mul3A_35 = arith.muli %scan3A_33, %mul3A_34 : i32
        %add3A_36 = arith.constant 0 : i32
        %add3A_37 = arith.addi %add3A_36, %mul3A_35 : i32
        %broadcast_in_dim3A = arith.constant 0.000000e+00 : f32
        %broadcast_in_dim3A_38 = vector.broadcast %broadcast_in_dim3A : f32 to vector<16xf32>
        %swap3A = arith.index_cast %add3A_27 : i32 to index
        %swap3A_39 = arith.index_cast %add3A_37 : i32 to index
        %swap3A_40 = tpu.vector_load %arg8[%swap3A, %swap3A_39] {strides = array<i32>} : memref<128x128xf32, #tpu.memory_space<vmem>>, vector<1x16xf32>,
        %swap3A_41 = vector.shape_cast %swap3A_40 : vector<1x16xf32> to vector<16xf32>
        %swap3A_42 = vector.shape_cast %broadcast_in_dim3A_38 : vector<16xf32> to vector<1x16xf32>
        tpu.vector_store %arg8[%swap3A, %swap3A_39], %swap3A_42 {strides = array<i32>} : memref<128x128xf32, #tpu.memory_space<vmem>>, vector<1x16xf32>,
      }
      %scan3A_32 = arith.constant 8 : i32
    }
    %scan3A_6 = arith.constant 128 : i32
    %add3A_7 = arith.constant 0 : i32
    %add3A_8 = arith.addi %mul3A_2, %add3A_7 : i32
    "tpu.region"() ({
      %run_scoped3A = tpu.sem_alloc : memref<!tpu.dma_semaphore, #tpu.memory_space<semaphore_mem>>
      %dma_start3A = arith.constant 0 : i32
      %dma_start3A_23 = tpu.memref_slice %arg9[%add3A_8, %dma_start3A] : memref<10240x128xf32, #tpu.memory_space<vmem_shared>> -> memref<128x128xf32, #tpu.memory_space<vmem_shared>>
      %dma_start3A_24 = arith.constant 0 : i32
      %dma_start3A_25 = tpu.memref_slice %arg9[%add3A_8, %dma_start3A_24] : memref<10240x128xf32, #tpu.memory_space<vmem_shared>> -> memref<128x128xf32, #tpu.memory_space<vmem_shared>>
      tpu.enqueue_dma source(%arg8 : memref<128x128xf32, #tpu.memory_space<vmem>>) target(%dma_start3A_25 : memref<128x128xf32, #tpu.memory_space<vmem_shared>>) target_semaphore(%run_scoped3A : memref<!tpu.dma_semaphore, #tpu.memory_space<semaphore_mem>>)
      %dma_wait3A = arith.constant 0 : i32
      %dma_wait3A_26 = tpu.memref_slice %arg9[%add3A_8, %dma_wait3A] : memref<10240x128xf32, #tpu.memory_space<vmem_shared>> -> memref<128x128xf32, #tpu.memory_space<vmem_shared>>
      %dma_wait3A_27 = arith.constant 0 : i32
      %dma_wait3A_28 = tpu.memref_slice %arg9[%add3A_8, %dma_wait3A_27] : memref<10240x128xf32, #tpu.memory_space<vmem_shared>> -> memref<128x128xf32, #tpu.memory_space<vmem_shared>>
      tpu.wait_dma2 semaphore(%run_scoped3A : memref<!tpu.dma_semaphore, #tpu.memory_space<semaphore_mem>>) src(%arg8 : memref<128x128xf32, #tpu.memory_space<vmem>>) dst(%dma_wait3A_28 : memref<128x128xf32, #tpu.memory_space<vmem_shared>>)
      tpu.yield
    }) : () -> ()
    %add3A_9 = arith.constant 128 : i32
    %add3A_10 = arith.addi %mul3A_2, %add3A_9 : i32
    "tpu.region"() ({
      %run_scoped3A = tpu.sem_alloc : memref<!tpu.dma_semaphore, #tpu.memory_space<semaphore_mem>>
      %dma_start3A = arith.constant 0 : i32
      %dma_start3A_23 = tpu.memref_slice %arg9[%add3A_10, %dma_start3A] : memref<10240x128xf32, #tpu.memory_space<vmem_shared>> -> memref<128x128xf32, #tpu.memory_space<vmem_shared>>
      %dma_start3A_24 = arith.constant 0 : i32
      %dma_start3A_25 = tpu.memref_slice %arg9[%add3A_10, %dma_start3A_24] : memref<10240x128xf32, #tpu.memory_space<vmem_shared>> -> memref<128x128xf32, #tpu.memory_space<vmem_shared>>
      tpu.enqueue_dma source(%arg8 : memref<128x128xf32, #tpu.memory_space<vmem>>) target(%dma_start3A_25 : memref<128x128xf32, #tpu.memory_space<vmem_shared>>) target_semaphore(%run_scoped3A : memref<!tpu.dma_semaphore, #tpu.memory_space<semaphore_mem>>)
      %dma_wait3A = arith.constant 0 : i32
      %dma_wait3A_26 = tpu.memref_slice %arg9[%add3A_10, %dma_wait3A] : memref<10240x128xf32, #tpu.memory_space<vmem_shared>> -> memref<128x128xf32, #tpu.memory_space<vmem_shared>>
      %dma_wait3A_27 = arith.constant 0 : i32
      %dma_wait3A_28 = tpu.memref_slice %arg9[%add3A_10, %dma_wait3A_27] : memref<10240x128xf32, #tpu.memory_space<vmem_shared>> -> memref<128x128xf32, #tpu.memory_space<vmem_shared>>
      tpu.wait_dma2 semaphore(%run_scoped3A : memref<!tpu.dma_semaphore, #tpu.memory_space<semaphore_mem>>) src(%arg8 : memref<128x128xf32, #tpu.memory_space<vmem>>) dst(%dma_wait3A_28 : memref<128x128xf32, #tpu.memory_space<vmem_shared>>)
      tpu.yield
    }) : () -> ()
    %add3A_11 = arith.constant 256 : i32
    %add3A_12 = arith.addi %mul3A_2, %add3A_11 : i32
    "tpu.region"() ({
      %run_scoped3A = tpu.sem_alloc : memref<!tpu.dma_semaphore, #tpu.memory_space<semaphore_mem>>
      %dma_start3A = arith.constant 0 : i32
      %dma_start3A_23 = tpu.memref_slice %arg9[%add3A_12, %dma_start3A] : memref<10240x128xf32, #tpu.memory_space<vmem_shared>> -> memref<128x128xf32, #tpu.memory_space<vmem_shared>>
      %dma_start3A_24 = arith.constant 0 : i32
      %dma_start3A_25 = tpu.memref_slice %arg9[%add3A_12, %dma_start3A_24] : memref<10240x128xf32, #tpu.memory_space<vmem_shared>> -> memref<128x128xf32, #tpu.memory_space<vmem_shared>>
      tpu.enqueue_dma source(%arg8 : memref<128x128xf32, #tpu.memory_space<vmem>>) target(%dma_start3A_25 : memref<128x128xf32, #tpu.memory_space<vmem_shared>>) target_semaphore(%run_scoped3A : memref<!tpu.dma_semaphore, #tpu.memory_space<semaphore_mem>>)
      %dma_wait3A = arith.constant 0 : i32
      %dma_wait3A_26 = tpu.memref_slice %arg9[%add3A_12, %dma_wait3A] : memref<10240x128xf32, #tpu.memory_space<vmem_shared>> -> memref<128x128xf32, #tpu.memory_space<vmem_shared>>
      %dma_wait3A_27 = arith.constant 0 : i32
      %dma_wait3A_28 = tpu.memref_slice %arg9[%add3A_12, %dma_wait3A_27] : memref<10240x128xf32, #tpu.memory_space<vmem_shared>> -> memref<128x128xf32, #tpu.memory_space<vmem_shared>>
      tpu.wait_dma2 semaphore(%run_scoped3A : memref<!tpu.dma_semaphore, #tpu.memory_space<semaphore_mem>>) src(%arg8 : memref<128x128xf32, #tpu.memory_space<vmem>>) dst(%dma_wait3A_28 : memref<128x128xf32, #tpu.memory_space<vmem_shared>>)
      tpu.yield
    }) : () -> ()
    %add3A_13 = arith.constant 384 : i32
    %add3A_14 = arith.addi %mul3A_2, %add3A_13 : i32
    "tpu.region"() ({
      %run_scoped3A = tpu.sem_alloc : memref<!tpu.dma_semaphore, #tpu.memory_space<semaphore_mem>>
      %dma_start3A = arith.constant 0 : i32
      %dma_start3A_23 = tpu.memref_slice %arg9[%add3A_14, %dma_start3A] : memref<10240x128xf32, #tpu.memory_space<vmem_shared>> -> memref<128x128xf32, #tpu.memory_space<vmem_shared>>
      %dma_start3A_24 = arith.constant 0 : i32
      %dma_start3A_25 = tpu.memref_slice %arg9[%add3A_14, %dma_start3A_24] : memref<10240x128xf32, #tpu.memory_space<vmem_shared>> -> memref<128x128xf32, #tpu.memory_space<vmem_shared>>
      tpu.enqueue_dma source(%arg8 : memref<128x128xf32, #tpu.memory_space<vmem>>) target(%dma_start3A_25 : memref<128x128xf32, #tpu.memory_space<vmem_shared>>) target_semaphore(%run_scoped3A : memref<!tpu.dma_semaphore, #tpu.memory_space<semaphore_mem>>)
      %dma_wait3A = arith.constant 0 : i32
      %dma_wait3A_26 = tpu.memref_slice %arg9[%add3A_14, %dma_wait3A] : memref<10240x128xf32, #tpu.memory_space<vmem_shared>> -> memref<128x128xf32, #tpu.memory_space<vmem_shared>>
      %dma_wait3A_27 = arith.constant 0 : i32
      %dma_wait3A_28 = tpu.memref_slice %arg9[%add3A_14, %dma_wait3A_27] : memref<10240x128xf32, #tpu.memory_space<vmem_shared>> -> memref<128x128xf32, #tpu.memory_space<vmem_shared>>
      tpu.wait_dma2 semaphore(%run_scoped3A : memref<!tpu.dma_semaphore, #tpu.memory_space<semaphore_mem>>) src(%arg8 : memref<128x128xf32, #tpu.memory_space<vmem>>) dst(%dma_wait3A_28 : memref<128x128xf32, #tpu.memory_space<vmem_shared>>)
      tpu.yield
    }) : () -> ()
    %add3A_15 = arith.constant 512 : i32
    %add3A_16 = arith.addi %mul3A_2, %add3A_15 : i32
    "tpu.region"() ({
      %run_scoped3A = tpu.sem_alloc : memref<!tpu.dma_semaphore, #tpu.memory_space<semaphore_mem>>
      %dma_start3A = arith.constant 0 : i32
      %dma_start3A_23 = tpu.memref_slice %arg9[%add3A_16, %dma_start3A] : memref<10240x128xf32, #tpu.memory_space<vmem_shared>> -> memref<128x128xf32, #tpu.memory_space<vmem_shared>>
      %dma_start3A_24 = arith.constant 0 : i32
      %dma_start3A_25 = tpu.memref_slice %arg9[%add3A_16, %dma_start3A_24] : memref<10240x128xf32, #tpu.memory_space<vmem_shared>> -> memref<128x128xf32, #tpu.memory_space<vmem_shared>>
      tpu.enqueue_dma source(%arg8 : memref<128x128xf32, #tpu.memory_space<vmem>>) target(%dma_start3A_25 : memref<128x128xf32, #tpu.memory_space<vmem_shared>>) target_semaphore(%run_scoped3A : memref<!tpu.dma_semaphore, #tpu.memory_space<semaphore_mem>>)
      %dma_wait3A = arith.constant 0 : i32
      %dma_wait3A_26 = tpu.memref_slice %arg9[%add3A_16, %dma_wait3A] : memref<10240x128xf32, #tpu.memory_space<vmem_shared>> -> memref<128x128xf32, #tpu.memory_space<vmem_shared>>
      %dma_wait3A_27 = arith.constant 0 : i32
      %dma_wait3A_28 = tpu.memref_slice %arg9[%add3A_16, %dma_wait3A_27] : memref<10240x128xf32, #tpu.memory_space<vmem_shared>> -> memref<128x128xf32, #tpu.memory_space<vmem_shared>>
      tpu.wait_dma2 semaphore(%run_scoped3A : memref<!tpu.dma_semaphore, #tpu.memory_space<semaphore_mem>>) src(%arg8 : memref<128x128xf32, #tpu.memory_space<vmem>>) dst(%dma_wait3A_28 : memref<128x128xf32, #tpu.memory_space<vmem_shared>>)
      tpu.yield
    }) : () -> ()
    "tpu.region"() ({
      %run_scoped3A = tpu.sem_alloc : memref<!tpu.dma_semaphore, #tpu.memory_space<semaphore_mem>>
      %dma_start3A = arith.constant 0 : i32
      %dma_start3A_23 = arith.constant 0 : i32
      %dma_start3A_24 = tpu.memref_slice %arg3[%add3A, %dma_start3A, %dma_start3A_23] : memref<32x80x128xi32, #tpu.memory_space<hbm>> -> memref<1x80x128xi32, #tpu.memory_space<hbm>>
      %dma_start3A_25 = tpu.memref_squeeze %dma_start3A_24 : memref<1x80x128xi32, #tpu.memory_space<hbm>> -> memref<80x128xi32, #tpu.memory_space<hbm>>
      %dma_start3A_26 = arith.constant 0 : i32
      %dma_start3A_27 = arith.constant 0 : i32
      %dma_start3A_28 = tpu.memref_slice %arg3[%add3A, %dma_start3A_26, %dma_start3A_27] : memref<32x80x128xi32, #tpu.memory_space<hbm>> -> memref<1x80x128xi32, #tpu.memory_space<hbm>>
      %dma_start3A_29 = tpu.memref_squeeze %dma_start3A_28 : memref<1x80x128xi32, #tpu.memory_space<hbm>> -> memref<80x128xi32, #tpu.memory_space<hbm>>
      tpu.enqueue_dma source(%dma_start3A_29 : memref<80x128xi32, #tpu.memory_space<hbm>>) target(%arg6 : memref<80x128xi32, #tpu.memory_space<vmem>>) target_semaphore(%run_scoped3A : memref<!tpu.dma_semaphore, #tpu.memory_space<semaphore_mem>>)
      %dma_wait3A = arith.constant 0 : i32
      %dma_wait3A_30 = arith.constant 0 : i32
      %dma_wait3A_31 = tpu.memref_slice %arg3[%add3A, %dma_wait3A, %dma_wait3A_30] : memref<32x80x128xi32, #tpu.memory_space<hbm>> -> memref<1x80x128xi32, #tpu.memory_space<hbm>>
      %dma_wait3A_32 = tpu.memref_squeeze %dma_wait3A_31 : memref<1x80x128xi32, #tpu.memory_space<hbm>> -> memref<80x128xi32, #tpu.memory_space<hbm>>
      %dma_wait3A_33 = arith.constant 0 : i32
      %dma_wait3A_34 = arith.constant 0 : i32
      %dma_wait3A_35 = tpu.memref_slice %arg3[%add3A, %dma_wait3A_33, %dma_wait3A_34] : memref<32x80x128xi32, #tpu.memory_space<hbm>> -> memref<1x80x128xi32, #tpu.memory_space<hbm>>
      %dma_wait3A_36 = tpu.memref_squeeze %dma_wait3A_35 : memref<1x80x128xi32, #tpu.memory_space<hbm>> -> memref<80x128xi32, #tpu.memory_space<hbm>>
      tpu.wait_dma2 semaphore(%run_scoped3A : memref<!tpu.dma_semaphore, #tpu.memory_space<semaphore_mem>>) src(%dma_wait3A_36 : memref<80x128xi32, #tpu.memory_space<hbm>>) dst(%arg6 : memref<80x128xi32, #tpu.memory_space<vmem>>)
      tpu.yield
    }) : () -> ()
    "tpu.region"() ({
      %run_scoped3A = tpu.sem_alloc : memref<!tpu.dma_semaphore, #tpu.memory_space<semaphore_mem>>
      %dma_start3A = arith.constant 0 : i32
      %dma_start3A_23 = arith.constant 0 : i32
      %dma_start3A_24 = tpu.memref_slice %arg4[%add3A, %dma_start3A, %dma_start3A_23] : memref<32x80x128xi32, #tpu.memory_space<hbm>> -> memref<1x80x128xi32, #tpu.memory_space<hbm>>
      %dma_start3A_25 = tpu.memref_squeeze %dma_start3A_24 : memref<1x80x128xi32, #tpu.memory_space<hbm>> -> memref<80x128xi32, #tpu.memory_space<hbm>>
      %dma_start3A_26 = arith.constant 0 : i32
      %dma_start3A_27 = arith.constant 0 : i32
      %dma_start3A_28 = tpu.memref_slice %arg4[%add3A, %dma_start3A_26, %dma_start3A_27] : memref<32x80x128xi32, #tpu.memory_space<hbm>> -> memref<1x80x128xi32, #tpu.memory_space<hbm>>
      %dma_start3A_29 = tpu.memref_squeeze %dma_start3A_28 : memref<1x80x128xi32, #tpu.memory_space<hbm>> -> memref<80x128xi32, #tpu.memory_space<hbm>>
      tpu.enqueue_dma source(%dma_start3A_29 : memref<80x128xi32, #tpu.memory_space<hbm>>) target(%arg7 : memref<80x128xi32, #tpu.memory_space<vmem>>) target_semaphore(%run_scoped3A : memref<!tpu.dma_semaphore, #tpu.memory_space<semaphore_mem>>)
      %dma_wait3A = arith.constant 0 : i32
      %dma_wait3A_30 = arith.constant 0 : i32
      %dma_wait3A_31 = tpu.memref_slice %arg4[%add3A, %dma_wait3A, %dma_wait3A_30] : memref<32x80x128xi32, #tpu.memory_space<hbm>> -> memref<1x80x128xi32, #tpu.memory_space<hbm>>
      %dma_wait3A_32 = tpu.memref_squeeze %dma_wait3A_31 : memref<1x80x128xi32, #tpu.memory_space<hbm>> -> memref<80x128xi32, #tpu.memory_space<hbm>>
      %dma_wait3A_33 = arith.constant 0 : i32
      %dma_wait3A_34 = arith.constant 0 : i32
      %dma_wait3A_35 = tpu.memref_slice %arg4[%add3A, %dma_wait3A_33, %dma_wait3A_34] : memref<32x80x128xi32, #tpu.memory_space<hbm>> -> memref<1x80x128xi32, #tpu.memory_space<hbm>>
      %dma_wait3A_36 = tpu.memref_squeeze %dma_wait3A_35 : memref<1x80x128xi32, #tpu.memory_space<hbm>> -> memref<80x128xi32, #tpu.memory_space<hbm>>
      tpu.wait_dma2 semaphore(%run_scoped3A : memref<!tpu.dma_semaphore, #tpu.memory_space<semaphore_mem>>) src(%dma_wait3A_36 : memref<80x128xi32, #tpu.memory_space<hbm>>) dst(%arg7 : memref<80x128xi32, #tpu.memory_space<vmem>>)
      tpu.yield
    }) : () -> ()
    %barrier3A = arith.constant 0 : index
    tpu.barrier barrier_id(%barrier3A)
    %scan3A_17 = arith.constant 0 : i32
    %scan3A_18 = arith.constant 80 : i32
    %scan3A_19 = arith.addi %scan3A_17, %scan3A_18 : i32
    %scan3A_20 = arith.constant 1 : i32
    scf.for %scan3A_23 = %scan3A_17 to %scan3A_19 step %scan3A_20  : i32 {
      %mul3A_24 = arith.constant 1 : i32
      %mul3A_25 = arith.muli %scan3A_23, %mul3A_24 : i32
      %add3A_26 = arith.constant 0 : i32
      %add3A_27 = arith.addi %add3A_26, %mul3A_25 : i32
      "tpu.region"() ({
        %run_scoped3A = tpu.sem_alloc : memref<!tpu.dma_semaphore, #tpu.memory_space<semaphore_mem>>
        %dma_start3A = arith.constant 0 : i32
        %dma_start3A_28 = tpu.memref_slice %arg6[%add3A_27, %dma_start3A] : memref<80x128xi32, #tpu.memory_space<vmem>> -> memref<1x128xi32, #tpu.memory_space<vmem>>
        %dma_start3A_29 = tpu.memref_squeeze %dma_start3A_28 : memref<1x128xi32, #tpu.memory_space<vmem>> -> memref<128xi32, #tpu.memory_space<vmem>>
        %dma_start3A_30 = arith.constant 0 : i32
        %dma_start3A_31 = arith.constant 0 : i32
        %dma_start3A_32 = tpu.memref_slice %arg2[%dma_start3A_30, %dma_start3A_31] : memref<10240x128xf32, #tpu.memory_space<hbm>> -> memref<10240x128xf32, #tpu.memory_space<hbm>>
        tpu.enqueue_indirect_dma source(%dma_start3A_32 : memref<10240x128xf32, #tpu.memory_space<hbm>>) target(%arg8 : memref<128x128xf32, #tpu.memory_space<vmem>>) offsets(%dma_start3A_29 : memref<128xi32, #tpu.memory_space<vmem>>) semaphore(%run_scoped3A : memref<!tpu.dma_semaphore, #tpu.memory_space<semaphore_mem>>)
        %dma_wait3A = arith.constant 0 : i32
        %dma_wait3A_33 = tpu.memref_slice %arg6[%add3A_27, %dma_wait3A] : memref<80x128xi32, #tpu.memory_space<vmem>> -> memref<1x128xi32, #tpu.memory_space<vmem>>
        %dma_wait3A_34 = tpu.memref_squeeze %dma_wait3A_33 : memref<1x128xi32, #tpu.memory_space<vmem>> -> memref<128xi32, #tpu.memory_space<vmem>>
        %dma_wait3A_35 = arith.constant 0 : i32
        %dma_wait3A_36 = arith.constant 0 : i32
        %dma_wait3A_37 = tpu.memref_slice %arg2[%dma_wait3A_35, %dma_wait3A_36] : memref<10240x128xf32, #tpu.memory_space<hbm>> -> memref<10240x128xf32, #tpu.memory_space<hbm>>
        tpu.wait_indirect_dma semaphore(%run_scoped3A : memref<!tpu.dma_semaphore, #tpu.memory_space<semaphore_mem>>) src(%dma_wait3A_37 : memref<10240x128xf32, #tpu.memory_space<hbm>>) dst(%arg8 : memref<128x128xf32, #tpu.memory_space<vmem>>)
        tpu.yield
      }) : () -> ()
      "tpu.region"() ({
        %run_scoped3A = tpu.sem_alloc : memref<!tpu.dma_semaphore, #tpu.memory_space<semaphore_mem>>
        %dma_start3A = arith.constant 0 : i32
        %dma_start3A_28 = tpu.memref_slice %arg7[%add3A_27, %dma_start3A] : memref<80x128xi32, #tpu.memory_space<vmem>> -> memref<1x128xi32, #tpu.memory_space<vmem>>
        %dma_start3A_29 = tpu.memref_squeeze %dma_start3A_28 : memref<1x128xi32, #tpu.memory_space<vmem>> -> memref<128xi32, #tpu.memory_space<vmem>>
        %dma_start3A_30 = arith.constant 0 : i32
        %dma_start3A_31 = arith.constant 0 : i32
        %dma_start3A_32 = tpu.memref_slice %arg9[%dma_start3A_30, %dma_start3A_31] : memref<10240x128xf32, #tpu.memory_space<vmem_shared>> -> memref<10240x128xf32, #tpu.memory_space<vmem_shared>>
        tpu.enqueue_indirect_dma source(%arg8 : memref<128x128xf32, #tpu.memory_space<vmem>>) target(%dma_start3A_32 : memref<10240x128xf32, #tpu.memory_space<vmem_shared>>) offsets(%dma_start3A_29 : memref<128xi32, #tpu.memory_space<vmem>>) semaphore(%run_scoped3A : memref<!tpu.dma_semaphore, #tpu.memory_space<semaphore_mem>>) {add = true}
        %dma_wait3A = arith.constant 0 : i32
        %dma_wait3A_33 = tpu.memref_slice %arg7[%add3A_27, %dma_wait3A] : memref<80x128xi32, #tpu.memory_space<vmem>> -> memref<1x128xi32, #tpu.memory_space<vmem>>
        %dma_wait3A_34 = tpu.memref_squeeze %dma_wait3A_33 : memref<1x128xi32, #tpu.memory_space<vmem>> -> memref<128xi32, #tpu.memory_space<vmem>>
        %dma_wait3A_35 = arith.constant 0 : i32
        %dma_wait3A_36 = arith.constant 0 : i32
        %dma_wait3A_37 = tpu.memref_slice %arg9[%dma_wait3A_35, %dma_wait3A_36] : memref<10240x128xf32, #tpu.memory_space<vmem_shared>> -> memref<10240x128xf32, #tpu.memory_space<vmem_shared>>
        tpu.wait_indirect_dma semaphore(%run_scoped3A : memref<!tpu.dma_semaphore, #tpu.memory_space<semaphore_mem>>) src(%arg8 : memref<128x128xf32, #tpu.memory_space<vmem>>) dst(%dma_wait3A_37 : memref<10240x128xf32, #tpu.memory_space<vmem_shared>>)
        tpu.yield
      }) : () -> ()
    }
    %scan3A_21 = arith.constant 80 : i32
    %barrier3A_22 = arith.constant 0 : index
    tpu.barrier barrier_id(%barrier3A_22)
    "tpu.region"() ({
      %run_scoped3A = tpu.sem_alloc : memref<!tpu.dma_semaphore, #tpu.memory_space<semaphore_mem>>
      %dma_start3A = arith.constant 0 : i32
      %dma_start3A_23 = tpu.memref_slice %arg5[%arg0, %mul3A_2, %dma_start3A] : memref<2x10240x128xf32, #tpu.memory_space<hbm>> -> memref<1x640x128xf32, #tpu.memory_space<hbm>>
      %dma_start3A_24 = tpu.memref_squeeze %dma_start3A_23 : memref<1x640x128xf32, #tpu.memory_space<hbm>> -> memref<640x128xf32, #tpu.memory_space<hbm>>
      %dma_start3A_25 = arith.constant 0 : i32
      %dma_start3A_26 = tpu.memref_slice %arg9[%mul3A_2, %dma_start3A_25] : memref<10240x128xf32, #tpu.memory_space<vmem_shared>> -> memref<640x128xf32, #tpu.memory_space<vmem_shared>>
      tpu.enqueue_dma source(%dma_start3A_26 : memref<640x128xf32, #tpu.memory_space<vmem_shared>>) target(%dma_start3A_24 : memref<640x128xf32, #tpu.memory_space<hbm>>) target_semaphore(%run_scoped3A : memref<!tpu.dma_semaphore, #tpu.memory_space<semaphore_mem>>)
      %dma_wait3A = arith.constant 0 : i32
      %dma_wait3A_27 = tpu.memref_slice %arg5[%arg0, %mul3A_2, %dma_wait3A] : memref<2x10240x128xf32, #tpu.memory_space<hbm>> -> memref<1x640x128xf32, #tpu.memory_space<hbm>>
      %dma_wait3A_28 = tpu.memref_squeeze %dma_wait3A_27 : memref<1x640x128xf32, #tpu.memory_space<hbm>> -> memref<640x128xf32, #tpu.memory_space<hbm>>
      %dma_wait3A_29 = arith.constant 0 : i32
      %dma_wait3A_30 = tpu.memref_slice %arg9[%mul3A_2, %dma_wait3A_29] : memref<10240x128xf32, #tpu.memory_space<vmem_shared>> -> memref<640x128xf32, #tpu.memory_space<vmem_shared>>
      tpu.wait_dma2 semaphore(%run_scoped3A : memref<!tpu.dma_semaphore, #tpu.memory_space<semaphore_mem>>) src(%dma_wait3A_30 : memref<640x128xf32, #tpu.memory_space<vmem_shared>>) dst(%dma_wait3A_28 : memref<640x128xf32, #tpu.memory_space<hbm>>)
      tpu.yield
    }) : () -> ()
    return
  }
}

module attributes {stable_mosaic.version = 14 : i64} {
  func.func @_embed_body(%arg0: i32, %arg1: memref<512x128xf32, #tpu.memory_space<vmem>>, %arg2: memref<128x128xf32, #tpu.memory_space<vmem>>, %arg3: memref<1x128xf32, #tpu.memory_space<vmem>>, %arg4: memref<512x128xf32, #tpu.memory_space<vmem>>) attributes {dimension_semantics = [#tpu.dimension_semantics<arbitrary>], iteration_bounds = array<i64: 20>, scalar_prefetch = 0 : i64, scratch_operands = 0 : i64, tpu.core_type = #tpu.core_type<tc>, window_params = [{transform_indices = @transform_0, window_bounds = array<i64: 512, 128>}, {pipeline_mode = #tpu.pipeline_mode<synchronous>, transform_indices = @transform_1, window_bounds = array<i64: 128, 128>}, {pipeline_mode = #tpu.pipeline_mode<synchronous>, transform_indices = @transform_2, window_bounds = array<i64: 1, 128>}, {transform_indices = @transform_3, window_bounds = array<i64: 512, 128>}]} {
    %get3A = arith.constant 0 : index
    %get3A_0 = arith.constant 0 : index
    %get3A_1 = vector.load %arg1[%get3A, %get3A_0] : memref<512x128xf32, #tpu.memory_space<vmem>>, vector<512x128xf32>
    %get3A_2 = arith.constant 0 : index
    %get3A_3 = arith.constant 0 : index
    %get3A_4 = vector.load %arg2[%get3A_2, %get3A_3] : memref<128x128xf32, #tpu.memory_space<vmem>>, vector<128x128xf32>
    %dot_general3A = arith.constant dense<0.000000e+00> : vector<512x128xf32>
    %dot_general3A_5 = tpu.matmul %get3A_1, %get3A_4, %dot_general3A {dimension_numbers = #tpu.dot_dimension_numbers<[1], [0], [0], [1], [0, 0, 1, 1], [], []>, transpose_lhs_hint = false} : vector<512x128xf32>, vector<128x128xf32>, vector<512x128xf32> -> vector<512x128xf32>
    %get3A_6 = arith.constant 0 : index
    %get3A_7 = arith.constant 0 : index
    %get3A_8 = vector.load %arg3[%get3A_6, %get3A_7] : memref<1x128xf32, #tpu.memory_space<vmem>>, vector<1x128xf32>
    %add3A = vector.broadcast %get3A_8 : vector<1x128xf32> to vector<512x128xf32>
    %add3A_9 = arith.addf %dot_general3A_5, %add3A : vector<512x128xf32>
    %swap3A = arith.constant 0 : index
    %swap3A_10 = arith.constant 0 : index
    %swap3A_11 = vector.load %arg4[%swap3A, %swap3A_10] : memref<512x128xf32, #tpu.memory_space<vmem>>, vector<512x128xf32>
    tpu.vector_store %arg4[%swap3A, %swap3A_10], %add3A_9 {strides = array<i32>} : memref<512x128xf32, #tpu.memory_space<vmem>>, vector<512x128xf32>,
    return
  }
  func.func @transform_0(%arg0: i32) -> (i32, i32) {
    %c0_i32 = arith.constant 0 : i32
    %c0_i32_0 = arith.constant 0 : i32
    return %arg0, %c0_i32 : i32, i32
  }
  func.func @transform_1(%arg0: i32) -> (i32, i32) {
    %c0_i32 = arith.constant 0 : i32
    %c0_i32_0 = arith.constant 0 : i32
    %c0_i32_1 = arith.constant 0 : i32
    return %c0_i32, %c0_i32_0 : i32, i32
  }
  func.func @transform_2(%arg0: i32) -> (i32, i32) {
    %c0_i32 = arith.constant 0 : i32
    %c0_i32_0 = arith.constant 0 : i32
    %c0_i32_1 = arith.constant 0 : i32
    return %c0_i32, %c0_i32_0 : i32, i32
  }
  func.func @transform_3(%arg0: i32) -> (i32, i32) {
    %c0_i32 = arith.constant 0 : i32
    %c0_i32_0 = arith.constant 0 : i32
    return %arg0, %c0_i32 : i32, i32
  }
}

module attributes {stable_mosaic.version = 14 : i64} {
  func.func @_layer_body(%arg0: i32, %arg1: memref<2x512x128xf32, #tpu.memory_space<vmem>>, %arg2: memref<2x512x128xf32, #tpu.memory_space<vmem>>, %arg3: memref<16x128xf32, #tpu.memory_space<vmem>>, %arg4: memref<1x128xf32, #tpu.memory_space<vmem>>, %arg5: memref<128x128xf32, #tpu.memory_space<vmem>>, %arg6: memref<1x128xf32, #tpu.memory_space<vmem>>, %arg7: memref<1x128xf32, #tpu.memory_space<vmem>>, %arg8: memref<1x128xf32, #tpu.memory_space<vmem>>, %arg9: memref<512x128xf32, #tpu.memory_space<vmem>>) attributes {dimension_semantics = [#tpu.dimension_semantics<arbitrary>], iteration_bounds = array<i64: 20>, scalar_prefetch = 0 : i64, scratch_operands = 0 : i64, tpu.core_type = #tpu.core_type<tc>, window_params = [{transform_indices = @transform_0, window_bounds = array<i64: 2, 512, 128>}, {transform_indices = @transform_1, window_bounds = array<i64: 2, 512, 128>}, {pipeline_mode = #tpu.pipeline_mode<synchronous>, transform_indices = @transform_2, window_bounds = array<i64: 16, 128>}, {pipeline_mode = #tpu.pipeline_mode<synchronous>, transform_indices = @transform_3, window_bounds = array<i64: 1, 128>}, {pipeline_mode = #tpu.pipeline_mode<synchronous>, transform_indices = @transform_4, window_bounds = array<i64: 128, 128>}, {pipeline_mode = #tpu.pipeline_mode<synchronous>, transform_indices = @transform_5, window_bounds = array<i64: 1, 128>}, {pipeline_mode = #tpu.pipeline_mode<synchronous>, transform_indices = @transform_6, window_bounds = array<i64: 1, 128>}, {pipeline_mode = #tpu.pipeline_mode<synchronous>, transform_indices = @transform_7, window_bounds = array<i64: 1, 128>}, {transform_indices = @transform_8, window_bounds = array<i64: 512, 128>}]} {
    %get3A = arith.constant 0 : index
    %get3A_0 = arith.constant 0 : index
    %get3A_1 = arith.constant 0 : index
    %get3A_2 = vector.load %arg1[%get3A, %get3A_0, %get3A_1] : memref<2x512x128xf32, #tpu.memory_space<vmem>>, vector<1x512x128xf32>
    %get3A_3 = vector.shape_cast %get3A_2 : vector<1x512x128xf32> to vector<512x128xf32>
    %get3A_4 = arith.constant 1 : index
    %get3A_5 = arith.constant 0 : index
    %get3A_6 = arith.constant 0 : index
    %get3A_7 = vector.load %arg1[%get3A_4, %get3A_5, %get3A_6] : memref<2x512x128xf32, #tpu.memory_space<vmem>>, vector<1x512x128xf32>
    %get3A_8 = vector.shape_cast %get3A_7 : vector<1x512x128xf32> to vector<512x128xf32>
    %add3A = arith.addf %get3A_3, %get3A_8 : vector<512x128xf32>
    %get3A_9 = arith.constant 0 : index
    %get3A_10 = arith.constant 0 : index
    %get3A_11 = arith.constant 0 : index
    %get3A_12 = vector.load %arg2[%get3A_9, %get3A_10, %get3A_11] : memref<2x512x128xf32, #tpu.memory_space<vmem>>, vector<1x512x128xf32>
    %get3A_13 = vector.shape_cast %get3A_12 : vector<1x512x128xf32> to vector<512x128xf32>
    %get3A_14 = arith.constant 1 : index
    %get3A_15 = arith.constant 0 : index
    %get3A_16 = arith.constant 0 : index
    %get3A_17 = vector.load %arg2[%get3A_14, %get3A_15, %get3A_16] : memref<2x512x128xf32, #tpu.memory_space<vmem>>, vector<1x512x128xf32>
    %get3A_18 = vector.shape_cast %get3A_17 : vector<1x512x128xf32> to vector<512x128xf32>
    %add3A_19 = arith.addf %get3A_13, %get3A_18 : vector<512x128xf32>
    %slice3A = vector.extract_strided_slice %add3A_19 {offsets = [0, 0], sizes = [512, 16], strides = [1, 1]} : vector<512x128xf32> to vector<512x16xf32>
    %slice3A_20 = vector.extract_strided_slice %add3A_19 {offsets = [0, 16], sizes = [512, 1], strides = [1, 1]} : vector<512x128xf32> to vector<512x1xf32>
    %get3A_21 = arith.constant 0 : index
    %get3A_22 = arith.constant 0 : index
    %get3A_23 = vector.load %arg3[%get3A_21, %get3A_22] : memref<16x128xf32, #tpu.memory_space<vmem>>, vector<16x128xf32>
    %dot_general3A = arith.constant dense<0.000000e+00> : vector<512x128xf32>
    %dot_general3A_24 = tpu.matmul %slice3A, %get3A_23, %dot_general3A {dimension_numbers = #tpu.dot_dimension_numbers<[1], [0], [0], [1], [0, 0, 1, 1], [], []>, transpose_lhs_hint = false} : vector<512x16xf32>, vector<16x128xf32>, vector<512x128xf32> -> vector<512x128xf32>
    %get3A_25 = arith.constant 0 : index
    %get3A_26 = arith.constant 0 : index
    %get3A_27 = vector.load %arg4[%get3A_25, %get3A_26] : memref<1x128xf32, #tpu.memory_space<vmem>>, vector<1x128xf32>
    %mul3A = vector.broadcast %slice3A_20 : vector<512x1xf32> to vector<512x128xf32>
    %mul3A_28 = vector.broadcast %get3A_27 : vector<1x128xf32> to vector<512x128xf32>
    %mul3A_29 = arith.mulf %mul3A, %mul3A_28 : vector<512x128xf32>
    %add3A_30 = arith.addf %dot_general3A_24, %mul3A_29 : vector<512x128xf32>
    %add3A_31 = arith.addf %add3A, %add3A_30 : vector<512x128xf32>
    %add3A_32 = arith.constant 1.000000e+00 : f32
    %add3A_33 = vector.broadcast %add3A_32 : f32 to vector<512x1xf32>
    %add3A_34 = arith.addf %slice3A_20, %add3A_33 : vector<512x1xf32>
    %div3A = vector.broadcast %add3A_34 : vector<512x1xf32> to vector<512x128xf32>
    %div3A_35 = arith.divf %add3A_31, %div3A : vector<512x128xf32>
    %get3A_36 = arith.constant 0 : index
    %get3A_37 = arith.constant 0 : index
    %get3A_38 = vector.load %arg5[%get3A_36, %get3A_37] : memref<128x128xf32, #tpu.memory_space<vmem>>, vector<128x128xf32>
    %dot_general3A_39 = arith.constant dense<0.000000e+00> : vector<512x128xf32>
    %dot_general3A_40 = tpu.matmul %div3A_35, %get3A_38, %dot_general3A_39 {dimension_numbers = #tpu.dot_dimension_numbers<[1], [0], [0], [1], [0, 0, 1, 1], [], []>, transpose_lhs_hint = false} : vector<512x128xf32>, vector<128x128xf32>, vector<512x128xf32> -> vector<512x128xf32>
    %get3A_41 = arith.constant 0 : index
    %get3A_42 = arith.constant 0 : index
    %get3A_43 = vector.load %arg6[%get3A_41, %get3A_42] : memref<1x128xf32, #tpu.memory_space<vmem>>, vector<1x128xf32>
    %add3A_44 = vector.broadcast %get3A_43 : vector<1x128xf32> to vector<512x128xf32>
    %add3A_45 = arith.addf %dot_general3A_40, %add3A_44 : vector<512x128xf32>
    %integer_pow3A = arith.mulf %add3A_45, %add3A_45 : vector<512x128xf32>
    %integer_pow3A_46 = arith.mulf %add3A_45, %integer_pow3A : vector<512x128xf32>
    %mul3A_47 = arith.constant 4.471500e-02 : f32
    %mul3A_48 = vector.broadcast %mul3A_47 : f32 to vector<512x128xf32>
    %mul3A_49 = arith.mulf %mul3A_48, %integer_pow3A_46 : vector<512x128xf32>
    %add3A_50 = arith.addf %add3A_45, %mul3A_49 : vector<512x128xf32>
    %mul3A_51 = arith.constant 0.797884583 : f32
    %mul3A_52 = vector.broadcast %mul3A_51 : f32 to vector<512x128xf32>
    %mul3A_53 = arith.mulf %mul3A_52, %add3A_50 : vector<512x128xf32>
    %tanh3A = math.tanh %mul3A_53 : vector<512x128xf32>
    %add3A_54 = arith.constant 1.000000e+00 : f32
    %add3A_55 = vector.broadcast %add3A_54 : f32 to vector<512x128xf32>
    %add3A_56 = arith.addf %add3A_55, %tanh3A : vector<512x128xf32>
    %mul3A_57 = arith.constant 5.000000e-01 : f32
    %mul3A_58 = vector.broadcast %mul3A_57 : f32 to vector<512x128xf32>
    %mul3A_59 = arith.mulf %mul3A_58, %add3A_56 : vector<512x128xf32>
    %mul3A_60 = arith.mulf %add3A_45, %mul3A_59 : vector<512x128xf32>
    %reduce_sum3A = arith.constant dense<0.000000e+00> : vector<512xf32>
    %reduce_sum3A_61 = vector.multi_reduction <add>, %mul3A_60, %reduce_sum3A [1] : vector<512x128xf32> to vector<512xf32>
    %broadcast_in_dim3A = vector.shape_cast %reduce_sum3A_61 : vector<512xf32> to vector<512x1xf32>
    %div3A_62 = arith.constant 1.280000e+02 : f32
    %div3A_63 = vector.broadcast %div3A_62 : f32 to vector<512x1xf32>
    %div3A_64 = arith.divf %broadcast_in_dim3A, %div3A_63 : vector<512x1xf32>
    %sub3A = vector.broadcast %div3A_64 : vector<512x1xf32> to vector<512x128xf32>
    %sub3A_65 = arith.subf %mul3A_60, %sub3A : vector<512x128xf32>
    %sub3A_66 = vector.broadcast %div3A_64 : vector<512x1xf32> to vector<512x128xf32>
    %sub3A_67 = arith.subf %mul3A_60, %sub3A_66 : vector<512x128xf32>
    %mul3A_68 = arith.mulf %sub3A_65, %sub3A_67 : vector<512x128xf32>
    %reduce_sum3A_69 = arith.constant dense<0.000000e+00> : vector<512xf32>
    %reduce_sum3A_70 = vector.multi_reduction <add>, %mul3A_68, %reduce_sum3A_69 [1] : vector<512x128xf32> to vector<512xf32>
    %broadcast_in_dim3A_71 = vector.shape_cast %reduce_sum3A_70 : vector<512xf32> to vector<512x1xf32>
    %div3A_72 = arith.constant 1.280000e+02 : f32
    %div3A_73 = vector.broadcast %div3A_72 : f32 to vector<512x1xf32>
    %div3A_74 = arith.divf %broadcast_in_dim3A_71, %div3A_73 : vector<512x1xf32>
    %sub3A_75 = vector.broadcast %div3A_64 : vector<512x1xf32> to vector<512x128xf32>
    %sub3A_76 = arith.subf %mul3A_60, %sub3A_75 : vector<512x128xf32>
    %add3A_77 = arith.constant 9.99999974E-6 : f32
    %add3A_78 = vector.broadcast %add3A_77 : f32 to vector<512x1xf32>
    %add3A_79 = arith.addf %div3A_74, %add3A_78 : vector<512x1xf32>
    %sqrt3A = math.sqrt %add3A_79 : vector<512x1xf32>
    %div3A_80 = vector.broadcast %sqrt3A : vector<512x1xf32> to vector<512x128xf32>
    %div3A_81 = arith.divf %sub3A_76, %div3A_80 : vector<512x128xf32>
    %get3A_82 = arith.constant 0 : index
    %get3A_83 = arith.constant 0 : index
    %get3A_84 = vector.load %arg7[%get3A_82, %get3A_83] : memref<1x128xf32, #tpu.memory_space<vmem>>, vector<1x128xf32>
    %mul3A_85 = vector.broadcast %get3A_84 : vector<1x128xf32> to vector<512x128xf32>
    %mul3A_86 = arith.mulf %div3A_81, %mul3A_85 : vector<512x128xf32>
    %get3A_87 = arith.constant 0 : index
    %get3A_88 = arith.constant 0 : index
    %get3A_89 = vector.load %arg8[%get3A_87, %get3A_88] : memref<1x128xf32, #tpu.memory_space<vmem>>, vector<1x128xf32>
    %add3A_90 = vector.broadcast %get3A_89 : vector<1x128xf32> to vector<512x128xf32>
    %add3A_91 = arith.addf %mul3A_86, %add3A_90 : vector<512x128xf32>
    %swap3A = arith.constant 0 : index
    %swap3A_92 = arith.constant 0 : index
    %swap3A_93 = vector.load %arg9[%swap3A, %swap3A_92] : memref<512x128xf32, #tpu.memory_space<vmem>>, vector<512x128xf32>
    tpu.vector_store %arg9[%swap3A, %swap3A_92], %add3A_91 {strides = array<i32>} : memref<512x128xf32, #tpu.memory_space<vmem>>, vector<512x128xf32>,
    return
  }
  func.func @transform_0(%arg0: i32) -> (i32, i32, i32) {
    %c0_i32 = arith.constant 0 : i32
    %c0_i32_0 = arith.constant 0 : i32
    %c0_i32_1 = arith.constant 0 : i32
    return %c0_i32, %arg0, %c0_i32_0 : i32, i32, i32
  }
  func.func @transform_1(%arg0: i32) -> (i32, i32, i32) {
    %c0_i32 = arith.constant 0 : i32
    %c0_i32_0 = arith.constant 0 : i32
    %c0_i32_1 = arith.constant 0 : i32
    return %c0_i32, %arg0, %c0_i32_0 : i32, i32, i32
  }
  func.func @transform_2(%arg0: i32) -> (i32, i32) {
    %c0_i32 = arith.constant 0 : i32
    %c0_i32_0 = arith.constant 0 : i32
    %c0_i32_1 = arith.constant 0 : i32
    return %c0_i32, %c0_i32_0 : i32, i32
  }
  func.func @transform_3(%arg0: i32) -> (i32, i32) {
    %c0_i32 = arith.constant 0 : i32
    %c0_i32_0 = arith.constant 0 : i32
    %c0_i32_1 = arith.constant 0 : i32
    return %c0_i32, %c0_i32_0 : i32, i32
  }
  func.func @transform_4(%arg0: i32) -> (i32, i32) {
    %c0_i32 = arith.constant 0 : i32
    %c0_i32_0 = arith.constant 0 : i32
    %c0_i32_1 = arith.constant 0 : i32
    return %c0_i32, %c0_i32_0 : i32, i32
  }
  func.func @transform_5(%arg0: i32) -> (i32, i32) {
    %c0_i32 = arith.constant 0 : i32
    %c0_i32_0 = arith.constant 0 : i32
    %c0_i32_1 = arith.constant 0 : i32
    return %c0_i32, %c0_i32_0 : i32, i32
  }
  func.func @transform_6(%arg0: i32) -> (i32, i32) {
    %c0_i32 = arith.constant 0 : i32
    %c0_i32_0 = arith.constant 0 : i32
    %c0_i32_1 = arith.constant 0 : i32
    return %c0_i32, %c0_i32_0 : i32, i32
  }
  func.func @transform_7(%arg0: i32) -> (i32, i32) {
    %c0_i32 = arith.constant 0 : i32
    %c0_i32_0 = arith.constant 0 : i32
    %c0_i32_1 = arith.constant 0 : i32
    return %c0_i32, %c0_i32_0 : i32, i32
  }
  func.func @transform_8(%arg0: i32) -> (i32, i32) {
    %c0_i32 = arith.constant 0 : i32
    %c0_i32_0 = arith.constant 0 : i32
    return %arg0, %c0_i32 : i32, i32
  }
}

module attributes {stable_mosaic.version = 14 : i64} {
  func.func @_fb_body(%arg0: i32, %arg1: memref<2x2048x128xf32, #tpu.memory_space<vmem>>, %arg2: memref<1000x128xf32, #tpu.memory_space<vmem>>) attributes {dimension_semantics = [#tpu.dimension_semantics<arbitrary>], iteration_bounds = array<i64: 1>, scalar_prefetch = 0 : i64, scratch_operands = 0 : i64, tpu.core_type = #tpu.core_type<tc>, window_params = [{pipeline_mode = #tpu.pipeline_mode<synchronous>, transform_indices = @transform_0, window_bounds = array<i64: 2, 2048, 128>}, {pipeline_mode = #tpu.pipeline_mode<synchronous>, transform_indices = @transform_1, window_bounds = array<i64: 1000, 128>}]} {
    %get3A = arith.constant 0 : index
    %get3A_0 = arith.constant 0 : index
    %get3A_1 = arith.constant 0 : index
    %get3A_2 = vector.load %arg1[%get3A, %get3A_0, %get3A_1] : memref<2x2048x128xf32, #tpu.memory_space<vmem>>, vector<1x2048x128xf32>
    %get3A_3 = vector.shape_cast %get3A_2 : vector<1x2048x128xf32> to vector<2048x128xf32>
    %get3A_4 = arith.constant 1 : index
    %get3A_5 = arith.constant 0 : index
    %get3A_6 = arith.constant 0 : index
    %get3A_7 = vector.load %arg1[%get3A_4, %get3A_5, %get3A_6] : memref<2x2048x128xf32, #tpu.memory_space<vmem>>, vector<1x2048x128xf32>
    %get3A_8 = vector.shape_cast %get3A_7 : vector<1x2048x128xf32> to vector<2048x128xf32>
    %add3A = arith.addf %get3A_3, %get3A_8 : vector<2048x128xf32>
    %slice3A = vector.extract_strided_slice %add3A {offsets = [1024, 0], sizes = [1000, 1], strides = [1, 1]} : vector<2048x128xf32> to vector<1000x1xf32>
    %slice3A_9 = vector.extract_strided_slice %add3A {offsets = [0, 0], sizes = [1000, 128], strides = [1, 1]} : vector<2048x128xf32> to vector<1000x128xf32>
    %max3A = arith.constant 1.000000e+00 : f32
    %max3A_10 = vector.broadcast %max3A : f32 to vector<1000x1xf32>
    %max3A_11 = arith.maximumf %slice3A, %max3A_10 : vector<1000x1xf32>
    %div3A = vector.broadcast %max3A_11 : vector<1000x1xf32> to vector<1000x128xf32>
    %div3A_12 = arith.divf %slice3A_9, %div3A : vector<1000x128xf32>
    %swap3A = arith.constant 0 : index
    %swap3A_13 = arith.constant 0 : index
    %swap3A_14 = vector.load %arg2[%swap3A, %swap3A_13] : memref<1000x128xf32, #tpu.memory_space<vmem>>, vector<1000x128xf32>
    tpu.vector_store %arg2[%swap3A, %swap3A_13], %div3A_12 {strides = array<i32>} : memref<1000x128xf32, #tpu.memory_space<vmem>>, vector<1000x128xf32>,
    return
  }
  func.func @transform_0(%arg0: i32) -> (i32, i32, i32) {
    %c0_i32 = arith.constant 0 : i32
    %c0_i32_0 = arith.constant 0 : i32
    %c0_i32_1 = arith.constant 0 : i32
    %c0_i32_2 = arith.constant 0 : i32
    return %c0_i32, %c0_i32_0, %c0_i32_1 : i32, i32, i32
  }
  func.func @transform_1(%arg0: i32) -> (i32, i32) {
    %c0_i32 = arith.constant 0 : i32
    %c0_i32_0 = arith.constant 0 : i32
    %c0_i32_1 = arith.constant 0 : i32
    return %c0_i32, %c0_i32_0 : i32, i32
  }
}

</mosaic_0001>

<sc_bundles>
// kernel: kernel.10.cloned.1.call-start
scs
__scs_entry_jumppad:
0x0: {  	(pc) =	sbr.rel $0x88, $3  }
0x1: {  	(tag) =	ssettag $0x0;
	lr =	simm.s32 $0x1  }
0x2: {  	[smem:$0x3F91] =	sst lr;
	_ =	strace $0xD0000000  }
0x3: {  	_ = 	snop  }
0x4: {  	_ = 	snop  }
0x5: {  	_ = 	snop  }
0x6: {  	_ = 	snop  }
0x7: {  	_ = 	snop  }
__scs_overlays_trampoline_lowered:
0x8: {  	[smem:$0x3FA0] =	sst s0  }
0x9: {  	[smem:$0x3FA1] =	sst s1  }
0xa: {  	[smem:$0x3FA2] =	sst s2  }
0xb: {  	[smem:$0x3FA3] =	sst s3  }
0xc: {  	[smem:$0x3FA4] =	sst s4  }
0xd: {  	[smem:$0x3FA5] =	sst s5  }
0xe: {  	[smem:$0x3FA6] =	sst s6  }
0xf: {  	[smem:$0x3FA7] =	sst s7  }
0x10: {  	[smem:$0x3FA8] =	sst s8  }
0x11: {  	[smem:$0x3FA9] =	sst s9;
	s0 =	simm.s32 @!p0 $0x0  }
0x12: {  	s1 =	sld [smem:$0x3F8F];
	s0 =	simm.s32 @p0 $0x1  }
0x13: {  	[smem:$0x3FAA] =	sst s0;
	s0 =	simm.s32 @!p1 $0x0  }
0x14: {  	s2 =	sld [smem:$0x3F8E];
	s0 =	simm.s32 @p1 $0x1  }
0x15: {  	[smem:$0x3FAB] =	sst s0;
	s0 =	simm.s32 @!p2 $0x0  }
0x16: {  	s3 =	sld [smem:$0x3FDB];
	s0 =	simm.s32 @p2 $0x1  }
0x17: {  	s4 =	simm.s32 $0x1BF5;
	[smem:$0x3FAD] =	sst s0  }
0x18: {  	s0 =	sld [smem:$0x3F90];
	_ =	swait.ge [sflag:s4], $0x0  }
0x19: {  	s7 =	sld [smem:$0x3F91]  }
0x1a: {  	s8 =	sadd.s32 $0xFFFFE003, lr  }
0x1b: {  	s9 =	sadd.s32 $0xFFFFFEF7, lr;
	s5 =	simm.s32 $0xFFFFFFFF;
	p2 =	slt.u32 s8, $0xFFFFF086  }
0x1c: {  	p1 =	slt.u32 s9, $0xF7A;
	s5 =	simm.s32 @!p2 $0x0  }
0x1d: {  	s5 =	simm.s32 @p1 $0x1;
	p0 =	seq.s32 s7, s2  }
0x1e: {  	s7 =	smul.u32 @!p0 $0xF7A, s2;
	p2 =	seq.s32 @!p0 s5, $0x0  }
0x1f: {  	s9 =	smul.u32 $0xF7A, s1;
	s8 =	simm.s32 @!p0 $0x1BF5;
	p2 =	por !p2, p0  }
0x20: {  	[sflag:s8] =	ssyncset.s32 @!p0 $0xFFFFF086;
	s6 =	sadd.s32 @!p0 s3, s7;
	s7 =	simm.s32 @!p0 $0x108  }
0x21: {  	s3 =	sadd.s32 s3, s9;
	s6 =	sadd.s32 @!p0 $0x88, s6;
	s7 =	simm.s32 @p2 $0x1082  }
0x22: {  	[simem:s7], [sflag:s8] =	dma.local @!p0 [hbm:s6], $0xF7A  }
0x23: {  	s9 =	sor.u32 $0xD0000000, s2;
	s6 =	simm.s32 $0x108;
	_ =	swait.ge @!p0 [sflag:s8], $0x0  }
0x24: {  	s3 =	sadd.s32 $0x88, s3;
	s6 =	simm.s32 @!p1 $0x1082;
	[sflag:s4] =	ssyncset.s32 $0xFFFFF086  }
0x25: {  	[simem:s6], [sflag:s4] =	dma.local [hbm:s3], $0xF7A  }
0x26: {  	[smem:$0x3F91] =	sst s1;
	(tag) =	ssettag s2;
	_ =	strace s9  }
0x27: {  	s1 =	sld [smem:$0x3FA1]  }
0x28: {  	s2 =	sld [smem:$0x3FA2]  }
0x29: {  	s4 =	sld [smem:$0x3FA4]  }
0x2a: {  	p0 =	seq.s32 s5, $0x0;
	s5 =	sld [smem:$0x3FA5]  }
0x2b: {  	s6 =	sld [smem:$0x3FA6]  }
0x2c: {  	s7 =	sld [smem:$0x3FA7]  }
0x2d: {  	s3 =	simm.s32 $0x108;
	s8 =	sld [smem:$0x3FA8]  }
0x2e: {  	s3 =	simm.s32 @!p0 $0x1082;
	s9 =	sld [smem:$0x3FA9]  }
0x2f: {  	lr =	sadd.s32 s0, s3;
	s0 =	sld [smem:$0x3FA0]  }
0x30: {  	s3 =	sld [smem:$0x3FA3]  }
0x31: {  	[smem:$0x3FAC] =	sst s10  }
0x32: {  	s10 =	sld [smem:$0x3FAA];
	_ =	sdelay $0x3  }
0x33: {  	p0 =	seq.s32 s10, $0x1;
	s10 =	sld [smem:$0x3FAC];
	_ =	sdelay $0x3  }
0x34: {  	[smem:$0x3FAC] =	sst s10  }
0x35: {  	s10 =	sld [smem:$0x3FAB];
	_ =	sdelay $0x3  }
0x36: {  	p1 =	seq.s32 s10, $0x1;
	s10 =	sld [smem:$0x3FAC];
	_ =	sdelay $0x3  }
0x37: {  	[smem:$0x3FAC] =	sst s10  }
0x38: {  	s10 =	sld [smem:$0x3FAD]  }
0x39: {  	_ = 	snop;
	(pc) =	sbr.ind lr, $3  }
0x3a: {  	_ = 	snop  }
0x3b: {  	_ = 	snop  }
0x3c: {  	p2 =	seq.s32 s10, $0x1;
	s10 =	sld [smem:$0x3FAC]  }
0x3d: {  	_ =	shalt  }
0x3e: {  	_ =	shalt  }
0x3f: {  	_ =	shalt  }
0x40: {  	_ =	shalt  }
0x41: {  	_ =	shalt  }
0x42: {  	_ =	shalt  }
0x43: {  	_ =	shalt  }
0x44: {  	_ =	shalt  }
0x45: {  	_ =	shalt  }
0x46: {  	_ =	shalt  }
0x47: {  	_ =	shalt  }
0x48: {  	_ =	shalt  }
0x49: {  	_ =	shalt  }
0x4a: {  	_ =	shalt  }
0x4b: {  	_ =	shalt  }
0x4c: {  	_ =	shalt  }
0x4d: {  	_ =	shalt  }
0x4e: {  	_ =	shalt  }
0x4f: {  	_ =	shalt  }
0x50: {  	_ =	shalt  }
0x51: {  	_ =	shalt  }
0x52: {  	_ =	shalt  }
0x53: {  	_ =	shalt  }
0x54: {  	_ =	shalt  }
0x55: {  	_ =	shalt  }
0x56: {  	_ =	shalt  }
0x57: {  	_ =	shalt  }
0x58: {  	_ =	shalt  }
0x59: {  	_ =	shalt  }
0x5a: {  	_ =	shalt  }
0x5b: {  	_ =	shalt  }
0x5c: {  	_ =	shalt  }
0x5d: {  	_ =	shalt  }
0x5e: {  	_ =	shalt  }
0x5f: {  	_ =	shalt  }
0x60: {  	_ =	shalt  }
0x61: {  	_ =	shalt  }
0x62: {  	_ =	shalt  }
0x63: {  	_ =	shalt  }
0x64: {  	_ =	shalt  }
0x65: {  	_ =	shalt  }
0x66: {  	_ =	shalt  }
0x67: {  	_ =	shalt  }
0x68: {  	_ =	shalt  }
0x69: {  	_ =	shalt  }
0x6a: {  	_ =	shalt  }
0x6b: {  	_ =	shalt  }
0x6c: {  	_ =	shalt  }
0x6d: {  	_ =	shalt  }
0x6e: {  	_ =	shalt  }
0x6f: {  	_ =	shalt  }
0x70: {  	_ =	shalt  }
0x71: {  	_ =	shalt  }
0x72: {  	_ =	shalt  }
0x73: {  	_ =	shalt  }
0x74: {  	_ =	shalt  }
0x75: {  	_ =	shalt  }
0x76: {  	_ =	shalt  }
0x77: {  	_ =	shalt  }
0x78: {  	_ =	shalt  }
0x79: {  	_ =	shalt  }
0x7a: {  	_ =	shalt  }
0x7b: {  	_ =	shalt  }
0x7c: {  	_ =	shalt  }
0x7d: {  	_ =	shalt  }
0x7e: {  	_ =	shalt  }
0x7f: {  	_ =	shalt  }
0x80: {  	_ =	shalt  }
0x81: {  	_ =	shalt  }
0x82: {  	_ =	shalt  }
0x83: {  	_ =	shalt  }
0x84: {  	_ =	shalt  }
0x85: {  	_ =	shalt  }
0x86: {  	_ =	shalt  }
0x87: {  	_ =	shalt  }
.Lfunc_end0:
.L_simem_size_0:
called_computation_lowered:
.L_overlay_start_0:
0x88: {  	s2 =	sld [smem:$0x3FD9]  }
0x89: {  	s3 =	sld [smem:$0x3FFE];
	_ =	sdelay $0x1  }
0x8a: {  	s1 =	srdreg.scid  }
0x8b: {  	s0 =	sand.u32 $0x1, s1  }
0x8c: {  	s17 =	sshll.u32 s0, $0xA;
	s2 =	sadd.s32 s3, s2  }
0x8d: {  	s2 =	sadd.s32 s2, s17  }
0x8e: {  	[smem:$0x3FB8] =	sst s2  }
0x8f: {  	_ = 	snop  }
0x90: {  	(tm) =	ssettm $0x1  }
0x91: {  	s18 =	sld [smem:$0x3FFB];
	_ =	sdelay $0x3  }
0x92: {  	_ =	strace s18  }
0x93: {  	s2 =	sld [smem:$0x3FFC];
	_ =	sdelay $0x3  }
0x94: {  	_ =	strace s2  }
0x95: {  	s2 =	sld [smem:$0x3FFD];
	_ =	sdelay $0x3  }
0x96: {  	_ =	strace s2  }
0x97: {  	_ =	strace $0x8FFFFFFF  }
0x98: {  	s19 =	sld [smem:$0x3FDB];
	_ =	sdelay $0x1  }
0x99: {  	s20 =	simm.s32 $_scs_section_size  }
0x9a: {  	s4 =	simm.s32 $_size__tile_overlayer_lowered;
	s5 =	simm.s32 $_tile_overlayer_lowered  }
0x9b: {  	s6 =	simm.s32 $0x1BFF;
	s21 =	sshll.u32 s5, $0x1;
	s3 =	sadd.s32 s20, s19  }
0x9c: {  	s22 =	simm.s32 $0x0;
	s4 =	sshll.u32 s4, $0x1;
	s5 =	sadd.s32 s21, s3  }
0x9d: {  	[timem:s22], [sflag:s6] =	dma.local [hbm:s5], s4  }
0x9e: {  	_ =	swait.ge [sflag:s6], s4  }
0x9f: {  	s4 =	ssub.s32 $0x0, s4;
	[sflag:s6] =	ssyncset.done $0x0  }
0xa0: {  	[sflag:s6] =	ssyncadd.s32 s4;
	_ =	sdelay $0x1  }
0xa1: {  	s23 =	simm.s32 $0x1B8B  }
0xa2: {  	_ =	swait.ge [sflag:s23], $0x1  }
0xa3: {  	[sflag:s23] =	ssyncset.done $0x0  }
0xa4: {  	[sflag:s23] =	ssyncadd.s32 $0xFFFFFFFF  }
0xa5: {  	s4 =	sld [smem:$0x0]  }
0xa6: {  	s5 =	sand.u32 $0xFFFFFFFE, s1  }
0xa7: {  	p0 =	sne.s32 s1, s5  }
0xa8: {  	s5 =	sshll.u32 @p0 s5, $0xE  }
0xa9: {  	s5 =	sadd.s32 @p0 $0x11B8D, s5;
	s6 =	sshll.u32 @p0 s4, $0x11  }
0xaa: {  	s5 =	sor.u32 @p0 s6, s5  }
0xab: {  	[sflag:s5] =	ssyncadd.remote.s32 @p0 $0x1;
	_ =	sdelay $0x1  }
0xac: {  	s5 =	simm.s32 @p0 $0x1B8D  }
0xad: {  	_ =	swait.eq @p0 [sflag:s5], $0x1  }
0xae: {  	[sflag:s5] =	ssyncadd.s32 @p0 $0xFFFFFFFF  }
0xaf: {  	s6 =	sshll.u32 @!p0 s1, $0xE  }
0xb0: {  	s6 =	sor.u32 @!p0 $0x4000, s6;
	s5 =	simm.s32 @!p0 $0x1B8D  }
0xb1: {  	s4 =	sshll.u32 @!p0 s4, $0x11;
	s6 =	sadd.s32 @!p0 $0x11B8D, s6;
	_ =	swait.eq @!p0 [sflag:s5], $0x1  }
0xb2: {  	s4 =	sor.u32 @!p0 s4, s6;
	[sflag:s5] =	ssyncadd.s32 @!p0 $0xFFFFFFFF  }
0xb3: {  	s25 =	simm.s32 $0x1B8E;
	s24 =	sld [smem:$0x3FFE];
	[sflag:s4] =	ssyncadd.remote.s32 @!p0 $0x1  }
0xb4: {  	s26 =	simm.s32 $execute0_lowered;
	[smem:$0x3FD2] =	sst s25  }
0xb5: {  	s5 =	sshll.u32 s26, $0x1;
	_ =	strace $0x80000049;
	[dreg:$0x1] =	wrdreg $0xFFFFFFFF  }
0xb6: {  	s28 =	simm.s32 $_size_execute0_lowered;
	s3 =	sadd.s32 s3, s5;
	[dreg:$0x0] =	wrdreg $0x0  }
0xb7: {  	s5 =	sshll.u32 s28, $0x1;
	[dreg:$0x2] =	wrdreg s3  }
0xb8: {  	[dreg:$0x3] =	wrdreg s5  }
0xb9: {  	[dreg:$0x4] =	wrdreg $0xC0  }
0xba: {  	_ =	task [dreg:s22], $0x5FFFF  }
0xbb: {  	[dreg:$0x1] =	wrdreg $0xFFFFFFFF  }
0xbc: {  	[dreg:$0x0] =	wrdreg $0x60  }
0xbd: {  	[dreg:$0x2] =	wrdreg s24  }
0xbe: {  	[dreg:$0x3] =	wrdreg $0xA8800  }
0xbf: {  	[dreg:$0x4] =	wrdreg $0x9  }
0xc0: {  	_ =	task.clear_ibuf [dreg:s22], $0x5FFFF;
	_ =	strace $0x90000049  }
0xc1: {  	s29 =	simm.s32 $0x9;
	_ =	strace $0x8000004B  }
0xc2: {  	_ =	swait.ge [sflag:s29], $0x1  }
0xc3: {  	[sflag:s29] =	ssyncadd.s32 $0xFFFFFFFF  }
0xc4: {  	_ =	strace $0x9000004B  }
0xc5: {  	_ =	sfence  }
0xc6: {  	s30 =	sld [smem:$0x0];
	_ =	sdelay $0x2  }
0xc7: {  	s31 =	sshll.u32 s1, $0xD;
	s1 =	sshrl.u32 s1, $0x2  }
0xc8: {  	s4 =	sand.u32 $0x4000, s31;
	s1 =	sadd.s32 s1, s30  }
0xc9: {  	s0 =	sor.u32 s4, s0;
	s1 =	sshll.u32 s1, $0x11  }
0xca: {  	s0 =	sor.u32 s1, s0  }
0xcb: {  	s0 =	sadd.s32 $0x8F2B, s0  }
0xcc: {  	[sflag:s0] =	ssyncadd.remote.s32 $0x1  }
0xcd: {  	_ =	sfence.sel $0xFFFF  }
0xce: {  	[dreg:$0x0] =	wrdreg $0xFFFFFFFF;
	(pc) =	sbr.abs _section_cstart, $3  }
0xcf: {  	[dreg:$0x1] =	wrdreg $0xFFFFFFFF  }
0xd0: {  	_ =	task.clear_ibuf [dreg:s22], $0x2FFFF;
	_ =	strace $0x9FFFFFFF  }
0xd1: {  	(tm) =	ssettm $0x7FFFFFFF  }
tec
execute0_lowered:
.L_overlay_start_1:
0x0: {  	(tag) =	ssettag $0x1  }
0x1: {  	s7 =	rddreg [dreg:$0x0]  }
0x2: {  	s0 =	srdreg.scid;
	s2 =	rddreg [dreg:$0x1];
	s4 =	simm.s32 $0x0  }
0x3: {  	s14 =	simm.s32 $0x6880;
	s15 =	simm.s32 $0x1;
	s6 =	sand.u32 $0x1, s0  }
0x4: {  	s16 =	simm.s32 $0x2880;
	s0 =	stileid.u32;
	s8 =	smul.u32 $0x140000, s6  }
0x5: {  	s17 =	simm.s32 $0x80;
	s18 =	simm.s32 $0x2800;
	s9 =	smul.u32 $0x14000, s0  }
0x6: {  	[smem:$0x7FF] =	sst s4;
	s1 =	sshll.u32 s6, $0x4;
	s10 =	smul.u32 $0x50000, s0  }
0x7: {  	s29 =	ssub.s32 $0x2, s6;
	s19 =	sshll.u32 s0, $0x6;
	s1 =	sor.u32 s0, s1  }
0x8: {  	s31 =	sshrl.u32 s29, $0x1;
	s19 =	sor.u32 $0x1C01, s19;
	s3 =	smul.u32 $0x2800, s1  }
0x9: {  	s1 =	rddreg [dreg:$0x2];
	_ =	strace $0x8000004A;
	s8 =	sadd.s32 s9, s8  }
0xa: {  	s30 =	sshrl.u32 s10, $0x2;
	s13 =	ssub.s32 s29, s31;
	s8 =	sshrl.u32 s8, $0x3  }
0xb: {  	s6 =	sadd.s32 s30, s2;
	s13 =	smax.u32 s13, $0x1;
	s5 =	sshrl.u32 s3, $0x3  }
0xc: {  	s12 =	sadd.s32 s8, s7;
	s8 =	sadd.s32 $0x8000, s6;
	s9 =	sadd.s32 $0xC000, s6  }
0xd: {  	v0 =	vimm.f32 $0.0e+00;
	vm0 =	vcmask $0x300;
	s10 =	sadd.s32 $0x10000, s6;
	s11 =	sadd.s32 s5, s7;
	s5 =	sadd.s32 $0x57C000, s7  }
0xe: {  	v1 =	vsel vm0, $0x3F800000, v0;
	s7 =	sadd.s32 $0x4000, s6;
	s12 =	sadd.s32 $0x9A000, s12;
	s11 =	sadd.s32 $0x4000, s11  }
.LBB2_1:
0xf: {  	s20 =	simm.s32 $0x0;
	s21 =	simm.s32 $0x200  }
.LBB2_2:
0x10: {  	p0 =	sne.s32 s21, $0xFE00;
	[tilespmem:s20+$0x68F0] =	vst v0  }
0x11: {  	[tilespmem:s20+$0x6880] =	vst v0  }
0x12: {  	[tilespmem:s20+$0x6890] =	vst v0  }
.Ltmp0:
0x13: {  	[tilespmem:s20+$0x68A0] =	vst v0;
	(pc) =	sbr.rel @p0 .LBB2_2-.Ltmp0, $4  }
0x14: {  	[tilespmem:s20+$0x68B0] =	vst v0  }
0x15: {  	[tilespmem:s20+$0x68C0] =	vst v0  }
0x16: {  	[tilespmem:s20+$0x68D0] =	vst v0  }
0x17: {  	[tilespmem:s20+$0x68E0] =	vst v0;
	s20 =	sshra.s32 s21, $0x2;
	s21 =	sadd.s32 $0x200, s21  }
0x18: {  	[tilespmem:s20+$0x68F0] =	vst v0  }
0x19: {  	[tilespmem:s20+$0x6880] =	vst v0  }
0x1a: {  	[tilespmem:s20+$0x6890] =	vst v0  }
0x1b: {  	[tilespmem:s20+$0x68A0] =	vst v0  }
0x1c: {  	[tilespmem:s20+$0x68B0] =	vst v0  }
0x1d: {  	[tilespmem:s20+$0x68C0] =	vst v0  }
0x1e: {  	[tilespmem:s20+$0x68D0] =	vst v0  }
0x1f: {  	[tilespmem:s20+$0x68E0] =	vst v0  }
0x20: {  	[spmem:s6] =	stream.linear.scatter [tilespmem:s14], [sflag:$0x1], $0x4000, $0x38;
	[tilespmem:$0x1E880] =	vst v63  }
0x21: {  	_ =	swait.ge [sflag:s15], $0x4000  }
0x22: {  	[sflag:s15] =	ssyncset.done $0x0  }
0x23: {  	[sflag:s15] =	ssyncadd.s32 $0xFFFFC000  }
0x24: {  	[spmem:s7] =	stream.linear.scatter [tilespmem:s14], [sflag:$0x1], $0x4000, $0x38;
	[tilespmem:$0x1E880] =	vst v63  }
0x25: {  	_ =	swait.ge [sflag:s15], $0x4000  }
0x26: {  	[sflag:s15] =	ssyncset.done $0x0  }
0x27: {  	[sflag:s15] =	ssyncadd.s32 $0xFFFFC000  }
0x28: {  	[spmem:s8] =	stream.linear.scatter [tilespmem:s14], [sflag:$0x1], $0x4000, $0x38;
	[tilespmem:$0x1E880] =	vst v63  }
0x29: {  	_ =	swait.ge [sflag:s15], $0x4000  }
0x2a: {  	[sflag:s15] =	ssyncset.done $0x0  }
0x2b: {  	[sflag:s15] =	ssyncadd.s32 $0xFFFFC000  }
0x2c: {  	[spmem:s9] =	stream.linear.scatter [tilespmem:s14], [sflag:$0x1], $0x4000, $0x38;
	[tilespmem:$0x1E880] =	vst v63  }
0x2d: {  	_ =	swait.ge [sflag:s15], $0x4000  }
0x2e: {  	[sflag:s15] =	ssyncset.done $0x0  }
0x2f: {  	[sflag:s15] =	ssyncadd.s32 $0xFFFFC000  }
0x30: {  	[spmem:s10] =	stream.linear.scatter [tilespmem:s14], [sflag:$0x1], $0x4000, $0x38;
	[tilespmem:$0x1E880] =	vst v63  }
0x31: {  	_ =	swait.ge [sflag:s15], $0x4000  }
0x32: {  	[sflag:s15] =	ssyncset.done $0x0  }
0x33: {  	s20 =	simm.s32 $0x200;
	s21 =	simm.s32 $0x0;
	[sflag:s15] =	ssyncadd.s32 $0xFFFFC000  }
.LBB2_4:
0x34: {  	p0 =	sne.s32 s20, $0xFE00;
	[tilespmem:s21+$0x6890] =	vst v1;
	s21 =	smov.u32 s20;
	s20 =	sadd.s32 $0x200, s20  }
.Ltmp1:
0x35: {  	(pc) =	sbr.rel @p0 .LBB2_4-.Ltmp1, $2  }
0x36: {  	_ =	sdelay $0x2  }
0x37: {  	s21 =	sshra.s32 s21, $0x2  }
0x38: {  	[tilespmem:s21+$0x6890] =	vst v1;
	s20 =	simm.s32 $0x0  }
0x39: {  	[tilespmem:s20], [sflag:$0x1] =	stream.linear.gather [hbm4b:s11+s20], $0x2800, $0x38;
	[tilespmem:$0x1E880] =	vst v63  }
0x3a: {  	_ =	swait.ge [sflag:s15], $0x2800  }
0x3b: {  	[sflag:s15] =	ssyncset.done $0x0  }
0x3c: {  	[sflag:s15] =	ssyncadd.s32 $0xFFFFD800  }
0x3d: {  	s21 =	simm.s32 $0x0;
	[bflag:$0x0] =	sbarrier.arrive $0xFFFF  }
.LBB2_6:
0x3e: {  	s22 =	sshll.u32 s21, $0x7  }
0x3f: {  	s23 =	sadd.s32 s3, s22  }
0x40: {  	s23 =	sshll.u32 s23, $0x4  }
0x41: {  	s23 =	sadd.s32 s5, s23  }
0x42: {  	[tilespmem:s16], [sflag:$0x1] =	stream.linear.gather [hbm4b:s23+s20], $0x4000, $0x38;
	[tilespmem:$0x1E880] =	vst v63  }
0x43: {  	_ =	swait.ge [sflag:s15], $0x4000  }
0x44: {  	[sflag:s15] =	ssyncset.done $0x0  }
0x45: {  	[sflag:s15] =	ssyncadd.s32 $0xFFFFC000  }
0x46: {  	v2 =	vld [tilespmem:s22+$0x0];
	_ =	sdelay $0x4  }
0x47: {  	v2 =	vshrl.u32 v2, $0xE  }
0x48: {  	[tilespmem:$0x2800] =	vst v2  }
0x49: {  	v2 =	vld [tilespmem:s22+$0x10];
	_ =	sdelay $0x4  }
0x4a: {  	v2 =	vshrl.u32 v2, $0xE  }
0x4b: {  	[tilespmem:$0x2810] =	vst v2  }
0x4c: {  	v2 =	vld [tilespmem:s22+$0x20];
	_ =	sdelay $0x4  }
0x4d: {  	v2 =	vshrl.u32 v2, $0xE  }
0x4e: {  	[tilespmem:$0x2820] =	vst v2  }
0x4f: {  	v2 =	vld [tilespmem:s22+$0x30];
	_ =	sdelay $0x4  }
0x50: {  	v2 =	vshrl.u32 v2, $0xE  }
0x51: {  	[tilespmem:$0x2830] =	vst v2  }
0x52: {  	v2 =	vld [tilespmem:s22+$0x40];
	_ =	sdelay $0x4  }
0x53: {  	v2 =	vshrl.u32 v2, $0xE  }
0x54: {  	[tilespmem:$0x2840] =	vst v2  }
0x55: {  	v2 =	vld [tilespmem:s22+$0x50];
	_ =	sdelay $0x4  }
0x56: {  	v2 =	vshrl.u32 v2, $0xE  }
0x57: {  	[tilespmem:$0x2850] =	vst v2  }
0x58: {  	v2 =	vld [tilespmem:s22+$0x60];
	_ =	sdelay $0x4  }
0x59: {  	v2 =	vshrl.u32 v2, $0xE  }
0x5a: {  	[tilespmem:$0x2860] =	vst v2  }
0x5b: {  	v2 =	vld [tilespmem:s22+$0x70];
	_ =	sdelay $0x4  }
0x5c: {  	v2 =	vshrl.u32 v2, $0xE  }
0x5d: {  	s22 =	simm.s32 $0x0;
	[tilespmem:$0x2870] =	vst v2  }
0x5e: {  	s23 =	simm.s32 $0x200;
	v2 =	vld [tilespmem:s22+$0x2880]  }
.LBB2_7:
0x5f: {  	p0 =	sne.s32 s23, $0xFE00  }
.Ltmp2:
0x60: {  	_ = 	snop;
	(pc) =	sbr.rel @p0 .LBB2_7-.Ltmp2, $3  }
0x61: {  	_ =	sdelay $0x1  }
0x62: {  	[tilespmem:s22+$0x6880] =	vst v2;
	s22 =	sshra.s32 s23, $0x2;
	s23 =	sadd.s32 $0x200, s23  }
0x63: {  	v2 =	vld [tilespmem:s22+$0x2880]  }
0x64: {  	_ =	sdelay $0x1  }
0x65: {  	s21 =	sadd.s32 $0x1, s21  }
0x66: {  	p0 =	sne.s32 s21, $0x50  }
.Ltmp3:
0x67: {  	[tilespmem:s22+$0x6880] =	vst v2;
	(pc) =	sbr.rel @p0 .LBB2_6-.Ltmp3, $4  }
0x68: {  	[spmem:s2] =	stream.indirect.scatter.add.f32 [tilespmem:s14], [sflag:$0x1], $0x80, s18, s17, $0xb8;
	[tilespmem:$0x1E880] =	vst v63  }
0x69: {  	_ =	swait.ge [sflag:s15], $0x4000  }
0x6a: {  	[sflag:s15] =	ssyncset.done $0x0  }
0x6b: {  	[sflag:s15] =	ssyncadd.s32 $0xFFFFC000  }
0x6c: {  	s4 =	sadd.s32 $0x1, s4  }
0x6d: {  	p0 =	sne.s32 s4, s13  }
.Ltmp4:
0x6e: {  	[bflag:$0x0] =	sbarrier.arrive $0xFFFF;
	s20 =	sshrl.u32 s6, $0x3;
	(pc) =	sbr.rel @p0 .LBB2_1-.Ltmp4, $4  }
0x6f: {  	[hbm:s12], [sflag:s19] =	dma.local [spmem:s20], $0x2800  }
0x70: {  	_ =	swait.ge [sflag:s15], $0x2800  }
0x71: {  	[sflag:s15] =	ssyncset.done $0x0  }
0x72: {  	[sflag:s15] =	ssyncadd.s32 $0xFFFFD800  }
0x73: {  	_ =	sfence.sel $0x180000  }
0x74: {  	[bflag:$0x0] =	sbarrier.arrive $0xFFFF  }
0x75: {  	p0 =	sne.s32 s0, $0x0;
	_ =	strace $0x9000004A  }
0x76: {  	s0 =	sadd.s32 @!p0 $0x100000, s1;
	[bflag:$0x2] =	sbarrier.arrive $0xFFFF  }
0x77: {  	[sflag:s0] =	ssyncadd.tile.s32 @!p0 $0x1;
	_ =	shalt  }
.Lfunc_end2:
_tile_overlayer_lowered:
.L_overlay_start_2:
0x78: {  	(tag) =	ssettag $0x2  }
0x79: {  	s0 =	rddreg [dreg:$0x0];
	s2 =	stileid.u32  }
0x7a: {  	s1 =	rddreg [dreg:$0x1];
	p0 =	sne.s32 s2, $0x0  }
0x7b: {  	s3 =	rddreg [dreg:$0x2];
	[bflag:$0x3] =	sbarrier.arrive $0xFFFF;
	s2 =	simm.s32 @!p0 $0x1C01  }
0x7c: {  	[timem:s3], [sflag:s2] =	dma.local @!p0 [hbm:s0], s1  }
0x7d: {  	s0 =	simm.s32 @!p0 $0x1  }
0x7e: {  	_ =	swait.ge @!p0 [sflag:s0], s1  }
0x7f: {  	s1 =	ssub.s32 @!p0 $0x0, s1;
	[sflag:s0] =	ssyncset.done @!p0 $0x0  }
0x80: {  	[sflag:s0] =	ssyncadd.s32 @!p0 s1  }
0x81: {  	[bflag:$0x3] =	sbarrier.arrive $0xFFFF  }
0x82: {  	_ =	shalt  }

// kernel: kernel.13.cloned.1.call-start
scs
__scs_entry_jumppad:
0x0: {  	(pc) =	sbr.rel $0x88, $3  }
0x1: {  	(tag) =	ssettag $0x0;
	lr =	simm.s32 $0x1  }
0x2: {  	[smem:$0x3F91] =	sst lr;
	_ =	strace $0xD0000000  }
0x3: {  	_ = 	snop  }
0x4: {  	_ = 	snop  }
0x5: {  	_ = 	snop  }
0x6: {  	_ = 	snop  }
0x7: {  	_ = 	snop  }
__scs_overlays_trampoline_lowered:
0x8: {  	[smem:$0x3FA0] =	sst s0  }
0x9: {  	[smem:$0x3FA1] =	sst s1  }
0xa: {  	[smem:$0x3FA2] =	sst s2  }
0xb: {  	[smem:$0x3FA3] =	sst s3  }
0xc: {  	[smem:$0x3FA4] =	sst s4  }
0xd: {  	[smem:$0x3FA5] =	sst s5  }
0xe: {  	[smem:$0x3FA6] =	sst s6  }
0xf: {  	[smem:$0x3FA7] =	sst s7  }
0x10: {  	[smem:$0x3FA8] =	sst s8  }
0x11: {  	[smem:$0x3FA9] =	sst s9;
	s0 =	simm.s32 @!p0 $0x0  }
0x12: {  	s1 =	sld [smem:$0x3F8F];
	s0 =	simm.s32 @p0 $0x1  }
0x13: {  	[smem:$0x3FAA] =	sst s0;
	s0 =	simm.s32 @!p1 $0x0  }
0x14: {  	s2 =	sld [smem:$0x3F8E];
	s0 =	simm.s32 @p1 $0x1  }
0x15: {  	[smem:$0x3FAB] =	sst s0;
	s0 =	simm.s32 @!p2 $0x0  }
0x16: {  	s3 =	sld [smem:$0x3FDB];
	s0 =	simm.s32 @p2 $0x1  }
0x17: {  	s4 =	simm.s32 $0x1BF5;
	[smem:$0x3FAD] =	sst s0  }
0x18: {  	s0 =	sld [smem:$0x3F90];
	_ =	swait.ge [sflag:s4], $0x0  }
0x19: {  	s7 =	sld [smem:$0x3F91]  }
0x1a: {  	s8 =	sadd.s32 $0xFFFFE003, lr  }
0x1b: {  	s9 =	sadd.s32 $0xFFFFFEF7, lr;
	s5 =	simm.s32 $0xFFFFFFFF;
	p2 =	slt.u32 s8, $0xFFFFF086  }
0x1c: {  	p1 =	slt.u32 s9, $0xF7A;
	s5 =	simm.s32 @!p2 $0x0  }
0x1d: {  	s5 =	simm.s32 @p1 $0x1;
	p0 =	seq.s32 s7, s2  }
0x1e: {  	s7 =	smul.u32 @!p0 $0xF7A, s2;
	p2 =	seq.s32 @!p0 s5, $0x0  }
0x1f: {  	s9 =	smul.u32 $0xF7A, s1;
	s8 =	simm.s32 @!p0 $0x1BF5;
	p2 =	por !p2, p0  }
0x20: {  	[sflag:s8] =	ssyncset.s32 @!p0 $0xFFFFF086;
	s6 =	sadd.s32 @!p0 s3, s7;
	s7 =	simm.s32 @!p0 $0x108  }
0x21: {  	s3 =	sadd.s32 s3, s9;
	s6 =	sadd.s32 @!p0 $0x88, s6;
	s7 =	simm.s32 @p2 $0x1082  }
0x22: {  	[simem:s7], [sflag:s8] =	dma.local @!p0 [hbm:s6], $0xF7A  }
0x23: {  	s9 =	sor.u32 $0xD0000000, s2;
	s6 =	simm.s32 $0x108;
	_ =	swait.ge @!p0 [sflag:s8], $0x0  }
0x24: {  	s3 =	sadd.s32 $0x88, s3;
	s6 =	simm.s32 @!p1 $0x1082;
	[sflag:s4] =	ssyncset.s32 $0xFFFFF086  }
0x25: {  	[simem:s6], [sflag:s4] =	dma.local [hbm:s3], $0xF7A  }
0x26: {  	[smem:$0x3F91] =	sst s1;
	(tag) =	ssettag s2;
	_ =	strace s9  }
0x27: {  	s1 =	sld [smem:$0x3FA1]  }
0x28: {  	s2 =	sld [smem:$0x3FA2]  }
0x29: {  	s4 =	sld [smem:$0x3FA4]  }
0x2a: {  	p0 =	seq.s32 s5, $0x0;
	s5 =	sld [smem:$0x3FA5]  }
0x2b: {  	s6 =	sld [smem:$0x3FA6]  }
0x2c: {  	s7 =	sld [smem:$0x3FA7]  }
0x2d: {  	s3 =	simm.s32 $0x108;
	s8 =	sld [smem:$0x3FA8]  }
0x2e: {  	s3 =	simm.s32 @!p0 $0x1082;
	s9 =	sld [smem:$0x3FA9]  }
0x2f: {  	lr =	sadd.s32 s0, s3;
	s0 =	sld [smem:$0x3FA0]  }
0x30: {  	s3 =	sld [smem:$0x3FA3]  }
0x31: {  	[smem:$0x3FAC] =	sst s10  }
0x32: {  	s10 =	sld [smem:$0x3FAA];
	_ =	sdelay $0x3  }
0x33: {  	p0 =	seq.s32 s10, $0x1;
	s10 =	sld [smem:$0x3FAC];
	_ =	sdelay $0x3  }
0x34: {  	[smem:$0x3FAC] =	sst s10  }
0x35: {  	s10 =	sld [smem:$0x3FAB];
	_ =	sdelay $0x3  }
0x36: {  	p1 =	seq.s32 s10, $0x1;
	s10 =	sld [smem:$0x3FAC];
	_ =	sdelay $0x3  }
0x37: {  	[smem:$0x3FAC] =	sst s10  }
0x38: {  	s10 =	sld [smem:$0x3FAD]  }
0x39: {  	_ = 	snop;
	(pc) =	sbr.ind lr, $3  }
0x3a: {  	_ = 	snop  }
0x3b: {  	_ = 	snop  }
0x3c: {  	p2 =	seq.s32 s10, $0x1;
	s10 =	sld [smem:$0x3FAC]  }
0x3d: {  	_ =	shalt  }
0x3e: {  	_ =	shalt  }
0x3f: {  	_ =	shalt  }
0x40: {  	_ =	shalt  }
0x41: {  	_ =	shalt  }
0x42: {  	_ =	shalt  }
0x43: {  	_ =	shalt  }
0x44: {  	_ =	shalt  }
0x45: {  	_ =	shalt  }
0x46: {  	_ =	shalt  }
0x47: {  	_ =	shalt  }
0x48: {  	_ =	shalt  }
0x49: {  	_ =	shalt  }
0x4a: {  	_ =	shalt  }
0x4b: {  	_ =	shalt  }
0x4c: {  	_ =	shalt  }
0x4d: {  	_ =	shalt  }
0x4e: {  	_ =	shalt  }
0x4f: {  	_ =	shalt  }
0x50: {  	_ =	shalt  }
0x51: {  	_ =	shalt  }
0x52: {  	_ =	shalt  }
0x53: {  	_ =	shalt  }
0x54: {  	_ =	shalt  }
0x55: {  	_ =	shalt  }
0x56: {  	_ =	shalt  }
0x57: {  	_ =	shalt  }
0x58: {  	_ =	shalt  }
0x59: {  	_ =	shalt  }
0x5a: {  	_ =	shalt  }
0x5b: {  	_ =	shalt  }
0x5c: {  	_ =	shalt  }
0x5d: {  	_ =	shalt  }
0x5e: {  	_ =	shalt  }
0x5f: {  	_ =	shalt  }
0x60: {  	_ =	shalt  }
0x61: {  	_ =	shalt  }
0x62: {  	_ =	shalt  }
0x63: {  	_ =	shalt  }
0x64: {  	_ =	shalt  }
0x65: {  	_ =	shalt  }
0x66: {  	_ =	shalt  }
0x67: {  	_ =	shalt  }
0x68: {  	_ =	shalt  }
0x69: {  	_ =	shalt  }
0x6a: {  	_ =	shalt  }
0x6b: {  	_ =	shalt  }
0x6c: {  	_ =	shalt  }
0x6d: {  	_ =	shalt  }
0x6e: {  	_ =	shalt  }
0x6f: {  	_ =	shalt  }
0x70: {  	_ =	shalt  }
0x71: {  	_ =	shalt  }
0x72: {  	_ =	shalt  }
0x73: {  	_ =	shalt  }
0x74: {  	_ =	shalt  }
0x75: {  	_ =	shalt  }
0x76: {  	_ =	shalt  }
0x77: {  	_ =	shalt  }
0x78: {  	_ =	shalt  }
0x79: {  	_ =	shalt  }
0x7a: {  	_ =	shalt  }
0x7b: {  	_ =	shalt  }
0x7c: {  	_ =	shalt  }
0x7d: {  	_ =	shalt  }
0x7e: {  	_ =	shalt  }
0x7f: {  	_ =	shalt  }
0x80: {  	_ =	shalt  }
0x81: {  	_ =	shalt  }
0x82: {  	_ =	shalt  }
0x83: {  	_ =	shalt  }
0x84: {  	_ =	shalt  }
0x85: {  	_ =	shalt  }
0x86: {  	_ =	shalt  }
0x87: {  	_ =	shalt  }
.Lfunc_end0:
.L_simem_size_0:
called_computation.1_lowered:
.L_overlay_start_0:
0x88: {  	s2 =	sld [smem:$0x3FD9]  }
0x89: {  	s3 =	sld [smem:$0x3FFE];
	_ =	sdelay $0x1  }
0x8a: {  	s1 =	srdreg.scid  }
0x8b: {  	s0 =	sand.u32 $0x1, s1  }
0x8c: {  	s16 =	sshll.u32 s0, $0xA;
	s2 =	sadd.s32 s3, s2  }
0x8d: {  	s2 =	sadd.s32 s2, s16  }
0x8e: {  	[smem:$0x3FB8] =	sst s2  }
0x8f: {  	_ = 	snop  }
0x90: {  	(tm) =	ssettm $0x1  }
0x91: {  	s17 =	sld [smem:$0x3FFB];
	_ =	sdelay $0x3  }
0x92: {  	_ =	strace s17  }
0x93: {  	s2 =	sld [smem:$0x3FFC];
	_ =	sdelay $0x3  }
0x94: {  	_ =	strace s2  }
0x95: {  	s2 =	sld [smem:$0x3FFD];
	_ =	sdelay $0x3  }
0x96: {  	_ =	strace s2  }
0x97: {  	_ =	strace $0x8FFFFFFF  }
0x98: {  	s18 =	sld [smem:$0x3FDB];
	_ =	sdelay $0x1  }
0x99: {  	s19 =	simm.s32 $_scs_section_size  }
0x9a: {  	s4 =	simm.s32 $_size__tile_overlayer_lowered;
	s5 =	simm.s32 $_tile_overlayer_lowered  }
0x9b: {  	s22 =	simm.s32 $0x1BFF;
	s21 =	sshll.u32 s5, $0x1;
	s2 =	sadd.s32 s19, s18  }
0x9c: {  	s6 =	simm.s32 $0x0;
	s20 =	sshll.u32 s4, $0x1;
	s4 =	sadd.s32 s21, s2  }
0x9d: {  	[timem:s6], [sflag:s22] =	dma.local [hbm:s4], s20  }
0x9e: {  	_ =	swait.ge [sflag:s22], s20  }
0x9f: {  	s3 =	ssub.s32 $0x0, s20;
	[sflag:s22] =	ssyncset.done $0x0  }
0xa0: {  	[sflag:s22] =	ssyncadd.s32 s3;
	_ =	sdelay $0x1  }
0xa1: {  	s23 =	simm.s32 $0x1B8B  }
0xa2: {  	_ =	swait.ge [sflag:s23], $0x1  }
0xa3: {  	[sflag:s23] =	ssyncset.done $0x0  }
0xa4: {  	s25 =	simm.s32 $0x1B8E;
	s24 =	sld [smem:$0x3FFE];
	[sflag:s23] =	ssyncadd.s32 $0xFFFFFFFF  }
0xa5: {  	s26 =	simm.s32 $execute0_lowered;
	[smem:$0x3FD2] =	sst s25  }
0xa6: {  	s4 =	sshll.u32 s26, $0x1;
	_ =	strace $0x80000046;
	[dreg:$0x1] =	wrdreg $0xFFFFFFFF  }
0xa7: {  	s28 =	simm.s32 $_size_execute0_lowered;
	s2 =	sadd.s32 s2, s4;
	[dreg:$0x0] =	wrdreg $0x0  }
0xa8: {  	s4 =	sshll.u32 s28, $0x1;
	[dreg:$0x2] =	wrdreg s2  }
0xa9: {  	[dreg:$0x3] =	wrdreg s4  }
0xaa: {  	[dreg:$0x4] =	wrdreg $0xC0  }
0xab: {  	_ =	task [dreg:s6], $0x5FFFF  }
0xac: {  	[dreg:$0x1] =	wrdreg $0xFFFFFFFF  }
0xad: {  	[dreg:$0x0] =	wrdreg $0x60  }
0xae: {  	[dreg:$0x2] =	wrdreg s24  }
0xaf: {  	[dreg:$0x3] =	wrdreg $0x90000  }
0xb0: {  	[dreg:$0x4] =	wrdreg $0xA  }
0xb1: {  	_ =	task.clear_ibuf [dreg:s6], $0x5FFFF;
	_ =	strace $0x90000046  }
0xb2: {  	s29 =	simm.s32 $0xA;
	_ =	strace $0x80000048  }
0xb3: {  	_ =	swait.ge [sflag:s29], $0x1  }
0xb4: {  	[sflag:s29] =	ssyncadd.s32 $0xFFFFFFFF  }
0xb5: {  	_ =	strace $0x90000048  }
0xb6: {  	_ =	sfence  }
0xb7: {  	s30 =	sld [smem:$0x0];
	_ =	sdelay $0x2  }
0xb8: {  	s31 =	sshll.u32 s1, $0xD;
	s1 =	sshrl.u32 s1, $0x2  }
0xb9: {  	s3 =	sand.u32 $0x4000, s31;
	s1 =	sadd.s32 s1, s30  }
0xba: {  	s0 =	sor.u32 s3, s0;
	s1 =	sshll.u32 s1, $0x11  }
0xbb: {  	s0 =	sor.u32 s1, s0  }
0xbc: {  	s0 =	sadd.s32 $0x8F2B, s0  }
0xbd: {  	[sflag:s0] =	ssyncadd.remote.s32 $0x1  }
0xbe: {  	_ =	sfence.sel $0xFFFF  }
0xbf: {  	[dreg:$0x0] =	wrdreg $0xFFFFFFFF;
	(pc) =	sbr.abs _section_cstart, $3  }
0xc0: {  	[dreg:$0x1] =	wrdreg $0xFFFFFFFF  }
0xc1: {  	_ =	task.clear_ibuf [dreg:s6], $0x2FFFF;
	_ =	strace $0x9FFFFFFF  }
0xc2: {  	(tm) =	ssettm $0x7FFFFFFF  }
0xc3: {  	_ =	shalt  }
tec
execute0_lowered:
.L_overlay_start_1:
0x0: {  	(tag) =	ssettag $0x1  }
0x1: {  	s6 =	rddreg [dreg:$0x0]  }
0x2: {  	s0 =	srdreg.scid;
	s2 =	rddreg [dreg:$0x1];
	s3 =	simm.s32 $0x0  }
0x3: {  	s14 =	simm.s32 $0x5000;
	s15 =	simm.s32 $0x1;
	s5 =	sand.u32 $0x1, s0  }
0x4: {  	s16 =	simm.s32 $0x2800;
	s0 =	stileid.u32;
	s8 =	smul.u32 $0x140000, s5  }
0x5: {  	s17 =	simm.s32 $0x80;
	[smem:$0x7FF] =	sst s3;
	s9 =	smul.u32 $0x14000, s0  }
0x6: {  	s4 =	sadd.s32 $0x22000, s6;
	s1 =	sshll.u32 s5, $0x4;
	s10 =	smul.u32 $0x50000, s0  }
0x7: {  	s5 =	ssub.s32 $0x2, s5;
	s18 =	sshll.u32 s0, $0x6;
	s1 =	sor.u32 s0, s1  }
0x8: {  	s30 =	sshrl.u32 s5, $0x1;
	s18 =	sor.u32 $0x1C01, s18;
	s7 =	smul.u32 $0x500, s1  }
0x9: {  	s1 =	rddreg [dreg:$0x2];
	_ =	strace $0x80000047;
	s31 =	sshrl.u32 s10, $0x2  }
0xa: {  	s29 =	sadd.s32 s9, s8;
	s13 =	ssub.s32 s5, s30;
	s5 =	sadd.s32 s31, s2  }
0xb: {  	s13 =	smax.u32 s13, $0x1;
	s11 =	sadd.s32 s7, s6;
	s7 =	sshrl.u32 s29, $0x3  }
0xc: {  	s8 =	sadd.s32 $0xC000, s5;
	s9 =	sadd.s32 $0x10000, s5;
	s19 =	sshrl.u32 s5, $0x3  }
0xd: {  	s12 =	sadd.s32 s7, s6;
	s6 =	sadd.s32 $0x4000, s5;
	s7 =	sadd.s32 $0x8000, s5  }
0xe: {  	v0 =	vimm.f32 $0.0e+00;
	s10 =	sadd.s32 $0xE000, s11;
	s11 =	sadd.s32 $0x18000, s11;
	s12 =	sadd.s32 $0x4A000, s12  }
.LBB2_1:
0xf: {  	s20 =	simm.s32 $0x0;
	s21 =	simm.s32 $0x200  }
.LBB2_2:
0x10: {  	p0 =	sne.s32 s21, $0xFE00;
	[tilespmem:s20+$0x5070] =	vst v0  }
0x11: {  	[tilespmem:s20+$0x5000] =	vst v0  }
0x12: {  	[tilespmem:s20+$0x5010] =	vst v0  }
.Ltmp0:
0x13: {  	[tilespmem:s20+$0x5020] =	vst v0;
	(pc) =	sbr.rel @p0 .LBB2_2-.Ltmp0, $4  }
0x14: {  	[tilespmem:s20+$0x5030] =	vst v0  }
0x15: {  	[tilespmem:s20+$0x5040] =	vst v0  }
0x16: {  	[tilespmem:s20+$0x5050] =	vst v0  }
0x17: {  	[tilespmem:s20+$0x5060] =	vst v0;
	s20 =	sshra.s32 s21, $0x2;
	s21 =	sadd.s32 $0x200, s21  }
0x18: {  	[tilespmem:s20+$0x5070] =	vst v0  }
0x19: {  	[tilespmem:s20+$0x5000] =	vst v0  }
0x1a: {  	[tilespmem:s20+$0x5010] =	vst v0  }
0x1b: {  	[tilespmem:s20+$0x5020] =	vst v0  }
0x1c: {  	[tilespmem:s20+$0x5030] =	vst v0  }
0x1d: {  	[tilespmem:s20+$0x5040] =	vst v0  }
0x1e: {  	[tilespmem:s20+$0x5050] =	vst v0  }
0x1f: {  	[tilespmem:s20+$0x5060] =	vst v0  }
0x20: {  	[spmem:s5] =	stream.linear.scatter [tilespmem:s14], [sflag:$0x1], $0x4000, $0x38;
	[tilespmem:$0x1D000] =	vst v63  }
0x21: {  	_ =	swait.ge [sflag:s15], $0x4000  }
0x22: {  	[sflag:s15] =	ssyncset.done $0x0  }
0x23: {  	[sflag:s15] =	ssyncadd.s32 $0xFFFFC000  }
0x24: {  	[spmem:s6] =	stream.linear.scatter [tilespmem:s14], [sflag:$0x1], $0x4000, $0x38;
	[tilespmem:$0x1D000] =	vst v63  }
0x25: {  	_ =	swait.ge [sflag:s15], $0x4000  }
0x26: {  	[sflag:s15] =	ssyncset.done $0x0  }
0x27: {  	[sflag:s15] =	ssyncadd.s32 $0xFFFFC000  }
0x28: {  	[spmem:s7] =	stream.linear.scatter [tilespmem:s14], [sflag:$0x1], $0x4000, $0x38;
	[tilespmem:$0x1D000] =	vst v63  }
0x29: {  	_ =	swait.ge [sflag:s15], $0x4000  }
0x2a: {  	[sflag:s15] =	ssyncset.done $0x0  }
0x2b: {  	[sflag:s15] =	ssyncadd.s32 $0xFFFFC000  }
0x2c: {  	[spmem:s8] =	stream.linear.scatter [tilespmem:s14], [sflag:$0x1], $0x4000, $0x38;
	[tilespmem:$0x1D000] =	vst v63  }
0x2d: {  	_ =	swait.ge [sflag:s15], $0x4000  }
0x2e: {  	[sflag:s15] =	ssyncset.done $0x0  }
0x2f: {  	[sflag:s15] =	ssyncadd.s32 $0xFFFFC000  }
0x30: {  	[spmem:s9] =	stream.linear.scatter [tilespmem:s14], [sflag:$0x1], $0x4000, $0x38;
	[tilespmem:$0x1D000] =	vst v63  }
0x31: {  	_ =	swait.ge [sflag:s15], $0x4000  }
0x32: {  	[sflag:s15] =	ssyncset.done $0x0  }
0x33: {  	s29 =	simm.s32 $0x0;
	[sflag:s15] =	ssyncadd.s32 $0xFFFFC000  }
0x34: {  	[tilespmem:s29], [sflag:$0x1] =	stream.linear.gather [hbm4b:s10+s29], $0x2800, $0x38;
	[tilespmem:$0x1D000] =	vst v63  }
0x35: {  	_ =	swait.ge [sflag:s15], $0x2800  }
0x36: {  	[sflag:s15] =	ssyncset.done $0x0  }
0x37: {  	[sflag:s15] =	ssyncadd.s32 $0xFFFFD800  }
0x38: {  	[tilespmem:s16], [sflag:$0x1] =	stream.linear.gather [hbm4b:s11+s29], $0x2800, $0x38;
	[tilespmem:$0x1D000] =	vst v63  }
0x39: {  	_ =	swait.ge [sflag:s15], $0x2800  }
0x3a: {  	[sflag:s15] =	ssyncset.done $0x0  }
0x3b: {  	[sflag:s15] =	ssyncadd.s32 $0xFFFFD800  }
0x3c: {  	s30 =	simm.s32 $0x0;
	[bflag:$0x0] =	sbarrier.arrive $0xFFFF  }
0x3d: {  	[tilespmem:s14], [sflag:$0x1] =	stream.indirect.gather [hbm4b:s4+s17], $0x80, s30, s17, $0xb8;
	[tilespmem:$0x1D000] =	vst v63  }
0x3e: {  	_ =	swait.ge [sflag:s15], $0x4000  }
0x3f: {  	[sflag:s15] =	ssyncset.done $0x0  }
0x40: {  	s31 =	simm.s32 $0x2800;
	[sflag:s15] =	ssyncadd.s32 $0xFFFFC000  }
0x41: {  	[spmem:s2] =	stream.indirect.scatter.add.f32 [tilespmem:s14], [sflag:$0x1], $0x80, s31, s17, $0xb8;
	[tilespmem:$0x1D000] =	vst v63  }
0x42: {  	_ =	swait.ge [sflag:s15], $0x4000  }
0x43: {  	s20 =	simm.s32 $0x200;
	s21 =	simm.s32 $0x400;
	[sflag:s15] =	ssyncset.done $0x0  }
.LBB2_4:
0x44: {  	s22 =	sshra.s32 s20, $0x2  }
0x45: {  	[sflag:s15] =	ssyncadd.s32 $0xFFFFC000;
	s20 =	smov.u32 s21;
	s23 =	sadd.s32 $0x200, s21  }
0x46: {  	[tilespmem:s14], [sflag:$0x1] =	stream.indirect.gather [hbm4b:s4+s17], $0x80, s22, s17, $0xb8;
	[tilespmem:$0x1D000] =	vst v63  }
0x47: {  	p0 =	sne.s32 s21, $0x9E00;
	_ =	swait.ge [sflag:s15], $0x4000  }
.Ltmp1:
0x48: {  	[sflag:s15] =	ssyncset.done $0x0;
	(pc) =	sbr.rel @p0 .LBB2_4-.Ltmp1, $4  }
0x49: {  	s21 =	sadd.s32 $0x2800, s22;
	[sflag:s15] =	ssyncadd.s32 $0xFFFFC000  }
0x4a: {  	[spmem:s2] =	stream.indirect.scatter.add.f32 [tilespmem:s14], [sflag:$0x1], $0x80, s21, s17, $0xb8;
	[tilespmem:$0x1D000] =	vst v63  }
0x4b: {  	_ =	swait.ge [sflag:s15], $0x4000  }
0x4c: {  	s21 =	smov.u32 s23;
	[sflag:s15] =	ssyncset.done $0x0  }
0x4d: {  	s20 =	sshra.s32 s20, $0x2;
	[sflag:s15] =	ssyncadd.s32 $0xFFFFC000  }
0x4e: {  	[tilespmem:s14], [sflag:$0x1] =	stream.indirect.gather [hbm4b:s4+s17], $0x80, s20, s17, $0xb8;
	[tilespmem:$0x1D000] =	vst v63  }
0x4f: {  	_ =	swait.ge [sflag:s15], $0x4000  }
0x50: {  	[sflag:s15] =	ssyncset.done $0x0  }
0x51: {  	s20 =	sadd.s32 $0x2800, s20;
	[sflag:s15] =	ssyncadd.s32 $0xFFFFC000  }
0x52: {  	[spmem:s2] =	stream.indirect.scatter.add.f32 [tilespmem:s14], [sflag:$0x1], $0x80, s20, s17, $0xb8;
	[tilespmem:$0x1D000] =	vst v63  }
0x53: {  	_ =	swait.ge [sflag:s15], $0x4000  }
0x54: {  	s3 =	sadd.s32 $0x1, s3;
	[sflag:s15] =	ssyncset.done $0x0  }
0x55: {  	p0 =	sne.s32 s3, s13;
	[sflag:s15] =	ssyncadd.s32 $0xFFFFC000  }
.Ltmp2:
0x56: {  	[bflag:$0x0] =	sbarrier.arrive $0xFFFF;
	(pc) =	sbr.rel @p0 .LBB2_1-.Ltmp2, $4  }
0x57: {  	[hbm:s12], [sflag:s18] =	dma.local [spmem:s19], $0x2800  }
0x58: {  	_ =	swait.ge [sflag:s15], $0x2800  }
0x59: {  	[sflag:s15] =	ssyncset.done $0x0  }
0x5a: {  	[sflag:s15] =	ssyncadd.s32 $0xFFFFD800  }
0x5b: {  	_ =	sfence.sel $0x180000  }
0x5c: {  	[bflag:$0x0] =	sbarrier.arrive $0xFFFF  }
0x5d: {  	p0 =	sne.s32 s0, $0x0;
	_ =	strace $0x90000047  }
0x5e: {  	s0 =	sadd.s32 @!p0 $0x100000, s1;
	[bflag:$0x2] =	sbarrier.arrive $0xFFFF  }
0x5f: {  	[sflag:s0] =	ssyncadd.tile.s32 @!p0 $0x1;
	_ =	shalt  }
.Lfunc_end2:
_tile_overlayer_lowered:
.L_overlay_start_2:
0x60: {  	(tag) =	ssettag $0x2  }
0x61: {  	s0 =	rddreg [dreg:$0x0];
	s2 =	stileid.u32  }
0x62: {  	s1 =	rddreg [dreg:$0x1];
	p0 =	sne.s32 s2, $0x0  }
0x63: {  	s3 =	rddreg [dreg:$0x2];
	[bflag:$0x3] =	sbarrier.arrive $0xFFFF;
	s2 =	simm.s32 @!p0 $0x1C01  }
0x64: {  	[timem:s3], [sflag:s2] =	dma.local @!p0 [hbm:s0], s1  }
0x65: {  	s0 =	simm.s32 @!p0 $0x1  }
0x66: {  	_ =	swait.ge @!p0 [sflag:s0], s1  }
0x67: {  	s1 =	ssub.s32 @!p0 $0x0, s1;
	[sflag:s0] =	ssyncset.done @!p0 $0x0  }
0x68: {  	[sflag:s0] =	ssyncadd.s32 @!p0 s1  }
0x69: {  	[bflag:$0x3] =	sbarrier.arrive $0xFFFF  }
0x6a: {  	_ =	shalt  }

// kernel: kernel.16.cloned.1.call-start
scs
__scs_entry_jumppad:
0x0: {  	(pc) =	sbr.rel $0x88, $3  }
0x1: {  	(tag) =	ssettag $0x0;
	lr =	simm.s32 $0x1  }
0x2: {  	[smem:$0x3F91] =	sst lr;
	_ =	strace $0xD0000000  }
0x3: {  	_ = 	snop  }
0x4: {  	_ = 	snop  }
0x5: {  	_ = 	snop  }
0x6: {  	_ = 	snop  }
0x7: {  	_ = 	snop  }
__scs_overlays_trampoline_lowered:
0x8: {  	[smem:$0x3FA0] =	sst s0  }
0x9: {  	[smem:$0x3FA1] =	sst s1  }
0xa: {  	[smem:$0x3FA2] =	sst s2  }
0xb: {  	[smem:$0x3FA3] =	sst s3  }
0xc: {  	[smem:$0x3FA4] =	sst s4  }
0xd: {  	[smem:$0x3FA5] =	sst s5  }
0xe: {  	[smem:$0x3FA6] =	sst s6  }
0xf: {  	[smem:$0x3FA7] =	sst s7  }
0x10: {  	[smem:$0x3FA8] =	sst s8  }
0x11: {  	[smem:$0x3FA9] =	sst s9;
	s0 =	simm.s32 @!p0 $0x0  }
0x12: {  	s1 =	sld [smem:$0x3F8F];
	s0 =	simm.s32 @p0 $0x1  }
0x13: {  	[smem:$0x3FAA] =	sst s0;
	s0 =	simm.s32 @!p1 $0x0  }
0x14: {  	s2 =	sld [smem:$0x3F8E];
	s0 =	simm.s32 @p1 $0x1  }
0x15: {  	[smem:$0x3FAB] =	sst s0;
	s0 =	simm.s32 @!p2 $0x0  }
0x16: {  	s3 =	sld [smem:$0x3FDB];
	s0 =	simm.s32 @p2 $0x1  }
0x17: {  	s4 =	simm.s32 $0x1BF5;
	[smem:$0x3FAD] =	sst s0  }
0x18: {  	s0 =	sld [smem:$0x3F90];
	_ =	swait.ge [sflag:s4], $0x0  }
0x19: {  	s7 =	sld [smem:$0x3F91]  }
0x1a: {  	s8 =	sadd.s32 $0xFFFFE003, lr  }
0x1b: {  	s9 =	sadd.s32 $0xFFFFFEF7, lr;
	s5 =	simm.s32 $0xFFFFFFFF;
	p2 =	slt.u32 s8, $0xFFFFF086  }
0x1c: {  	p1 =	slt.u32 s9, $0xF7A;
	s5 =	simm.s32 @!p2 $0x0  }
0x1d: {  	s5 =	simm.s32 @p1 $0x1;
	p0 =	seq.s32 s7, s2  }
0x1e: {  	s7 =	smul.u32 @!p0 $0xF7A, s2;
	p2 =	seq.s32 @!p0 s5, $0x0  }
0x1f: {  	s9 =	smul.u32 $0xF7A, s1;
	s8 =	simm.s32 @!p0 $0x1BF5;
	p2 =	por !p2, p0  }
0x20: {  	[sflag:s8] =	ssyncset.s32 @!p0 $0xFFFFF086;
	s6 =	sadd.s32 @!p0 s3, s7;
	s7 =	simm.s32 @!p0 $0x108  }
0x21: {  	s3 =	sadd.s32 s3, s9;
	s6 =	sadd.s32 @!p0 $0x88, s6;
	s7 =	simm.s32 @p2 $0x1082  }
0x22: {  	[simem:s7], [sflag:s8] =	dma.local @!p0 [hbm:s6], $0xF7A  }
0x23: {  	s9 =	sor.u32 $0xD0000000, s2;
	s6 =	simm.s32 $0x108;
	_ =	swait.ge @!p0 [sflag:s8], $0x0  }
0x24: {  	s3 =	sadd.s32 $0x88, s3;
	s6 =	simm.s32 @!p1 $0x1082;
	[sflag:s4] =	ssyncset.s32 $0xFFFFF086  }
0x25: {  	[simem:s6], [sflag:s4] =	dma.local [hbm:s3], $0xF7A  }
0x26: {  	[smem:$0x3F91] =	sst s1;
	(tag) =	ssettag s2;
	_ =	strace s9  }
0x27: {  	s1 =	sld [smem:$0x3FA1]  }
0x28: {  	s2 =	sld [smem:$0x3FA2]  }
0x29: {  	s4 =	sld [smem:$0x3FA4]  }
0x2a: {  	p0 =	seq.s32 s5, $0x0;
	s5 =	sld [smem:$0x3FA5]  }
0x2b: {  	s6 =	sld [smem:$0x3FA6]  }
0x2c: {  	s7 =	sld [smem:$0x3FA7]  }
0x2d: {  	s3 =	simm.s32 $0x108;
	s8 =	sld [smem:$0x3FA8]  }
0x2e: {  	s3 =	simm.s32 @!p0 $0x1082;
	s9 =	sld [smem:$0x3FA9]  }
0x2f: {  	lr =	sadd.s32 s0, s3;
	s0 =	sld [smem:$0x3FA0]  }
0x30: {  	s3 =	sld [smem:$0x3FA3]  }
0x31: {  	[smem:$0x3FAC] =	sst s10  }
0x32: {  	s10 =	sld [smem:$0x3FAA];
	_ =	sdelay $0x3  }
0x33: {  	p0 =	seq.s32 s10, $0x1;
	s10 =	sld [smem:$0x3FAC];
	_ =	sdelay $0x3  }
0x34: {  	[smem:$0x3FAC] =	sst s10  }
0x35: {  	s10 =	sld [smem:$0x3FAB];
	_ =	sdelay $0x3  }
0x36: {  	p1 =	seq.s32 s10, $0x1;
	s10 =	sld [smem:$0x3FAC];
	_ =	sdelay $0x3  }
0x37: {  	[smem:$0x3FAC] =	sst s10  }
0x38: {  	s10 =	sld [smem:$0x3FAD]  }
0x39: {  	_ = 	snop;
	(pc) =	sbr.ind lr, $3  }
0x3a: {  	_ = 	snop  }
0x3b: {  	_ = 	snop  }
0x3c: {  	p2 =	seq.s32 s10, $0x1;
	s10 =	sld [smem:$0x3FAC]  }
0x3d: {  	_ =	shalt  }
0x3e: {  	_ =	shalt  }
0x3f: {  	_ =	shalt  }
0x40: {  	_ =	shalt  }
0x41: {  	_ =	shalt  }
0x42: {  	_ =	shalt  }
0x43: {  	_ =	shalt  }
0x44: {  	_ =	shalt  }
0x45: {  	_ =	shalt  }
0x46: {  	_ =	shalt  }
0x47: {  	_ =	shalt  }
0x48: {  	_ =	shalt  }
0x49: {  	_ =	shalt  }
0x4a: {  	_ =	shalt  }
0x4b: {  	_ =	shalt  }
0x4c: {  	_ =	shalt  }
0x4d: {  	_ =	shalt  }
0x4e: {  	_ =	shalt  }
0x4f: {  	_ =	shalt  }
0x50: {  	_ =	shalt  }
0x51: {  	_ =	shalt  }
0x52: {  	_ =	shalt  }
0x53: {  	_ =	shalt  }
0x54: {  	_ =	shalt  }
0x55: {  	_ =	shalt  }
0x56: {  	_ =	shalt  }
0x57: {  	_ =	shalt  }
0x58: {  	_ =	shalt  }
0x59: {  	_ =	shalt  }
0x5a: {  	_ =	shalt  }
0x5b: {  	_ =	shalt  }
0x5c: {  	_ =	shalt  }
0x5d: {  	_ =	shalt  }
0x5e: {  	_ =	shalt  }
0x5f: {  	_ =	shalt  }
0x60: {  	_ =	shalt  }
0x61: {  	_ =	shalt  }
0x62: {  	_ =	shalt  }
0x63: {  	_ =	shalt  }
0x64: {  	_ =	shalt  }
0x65: {  	_ =	shalt  }
0x66: {  	_ =	shalt  }
0x67: {  	_ =	shalt  }
0x68: {  	_ =	shalt  }
0x69: {  	_ =	shalt  }
0x6a: {  	_ =	shalt  }
0x6b: {  	_ =	shalt  }
0x6c: {  	_ =	shalt  }
0x6d: {  	_ =	shalt  }
0x6e: {  	_ =	shalt  }
0x6f: {  	_ =	shalt  }
0x70: {  	_ =	shalt  }
0x71: {  	_ =	shalt  }
0x72: {  	_ =	shalt  }
0x73: {  	_ =	shalt  }
0x74: {  	_ =	shalt  }
0x75: {  	_ =	shalt  }
0x76: {  	_ =	shalt  }
0x77: {  	_ =	shalt  }
0x78: {  	_ =	shalt  }
0x79: {  	_ =	shalt  }
0x7a: {  	_ =	shalt  }
0x7b: {  	_ =	shalt  }
0x7c: {  	_ =	shalt  }
0x7d: {  	_ =	shalt  }
0x7e: {  	_ =	shalt  }
0x7f: {  	_ =	shalt  }
0x80: {  	_ =	shalt  }
0x81: {  	_ =	shalt  }
0x82: {  	_ =	shalt  }
0x83: {  	_ =	shalt  }
0x84: {  	_ =	shalt  }
0x85: {  	_ =	shalt  }
0x86: {  	_ =	shalt  }
0x87: {  	_ =	shalt  }
.Lfunc_end0:
.L_simem_size_0:
called_computation.2_lowered:
.L_overlay_start_0:
0x88: {  	s2 =	sld [smem:$0x3FD9]  }
0x89: {  	s3 =	sld [smem:$0x3FFE];
	_ =	sdelay $0x1  }
0x8a: {  	s1 =	srdreg.scid  }
0x8b: {  	s0 =	sand.u32 $0x1, s1  }
0x8c: {  	s16 =	sshll.u32 s0, $0xA;
	s2 =	sadd.s32 s3, s2  }
0x8d: {  	s2 =	sadd.s32 s2, s16  }
0x8e: {  	[smem:$0x3FB8] =	sst s2  }
0x8f: {  	_ = 	snop  }
0x90: {  	(tm) =	ssettm $0x1  }
0x91: {  	s17 =	sld [smem:$0x3FFB];
	_ =	sdelay $0x3  }
0x92: {  	_ =	strace s17  }
0x93: {  	s2 =	sld [smem:$0x3FFC];
	_ =	sdelay $0x3  }
0x94: {  	_ =	strace s2  }
0x95: {  	s2 =	sld [smem:$0x3FFD];
	_ =	sdelay $0x3  }
0x96: {  	_ =	strace s2  }
0x97: {  	_ =	strace $0x8FFFFFFF  }
0x98: {  	s18 =	sld [smem:$0x3FDB];
	_ =	sdelay $0x1  }
0x99: {  	s19 =	simm.s32 $_scs_section_size  }
0x9a: {  	s4 =	simm.s32 $_size__tile_overlayer_lowered;
	s5 =	simm.s32 $_tile_overlayer_lowered  }
0x9b: {  	s22 =	simm.s32 $0x1BFF;
	s21 =	sshll.u32 s5, $0x1;
	s2 =	sadd.s32 s19, s18  }
0x9c: {  	s6 =	simm.s32 $0x0;
	s20 =	sshll.u32 s4, $0x1;
	s4 =	sadd.s32 s21, s2  }
0x9d: {  	[timem:s6], [sflag:s22] =	dma.local [hbm:s4], s20  }
0x9e: {  	_ =	swait.ge [sflag:s22], s20  }
0x9f: {  	s3 =	ssub.s32 $0x0, s20;
	[sflag:s22] =	ssyncset.done $0x0  }
0xa0: {  	[sflag:s22] =	ssyncadd.s32 s3;
	_ =	sdelay $0x1  }
0xa1: {  	s23 =	simm.s32 $0x1B8B  }
0xa2: {  	_ =	swait.ge [sflag:s23], $0x1  }
0xa3: {  	[sflag:s23] =	ssyncset.done $0x0  }
0xa4: {  	s25 =	simm.s32 $0x1B8E;
	s24 =	sld [smem:$0x3FFE];
	[sflag:s23] =	ssyncadd.s32 $0xFFFFFFFF  }
0xa5: {  	s26 =	simm.s32 $execute0_lowered;
	[smem:$0x3FD2] =	sst s25  }
0xa6: {  	s4 =	sshll.u32 s26, $0x1;
	_ =	strace $0x8000004C;
	[dreg:$0x1] =	wrdreg $0xFFFFFFFF  }
0xa7: {  	s28 =	simm.s32 $_size_execute0_lowered;
	s2 =	sadd.s32 s2, s4;
	[dreg:$0x0] =	wrdreg $0x0  }
0xa8: {  	s4 =	sshll.u32 s28, $0x1;
	[dreg:$0x2] =	wrdreg s2  }
0xa9: {  	[dreg:$0x3] =	wrdreg s4  }
0xaa: {  	[dreg:$0x4] =	wrdreg $0xC0  }
0xab: {  	_ =	task [dreg:s6], $0x5FFFF  }
0xac: {  	[dreg:$0x1] =	wrdreg $0xFFFFFFFF  }
0xad: {  	[dreg:$0x0] =	wrdreg $0x60  }
0xae: {  	[dreg:$0x2] =	wrdreg s24  }
0xaf: {  	[dreg:$0x3] =	wrdreg $0x90000  }
0xb0: {  	[dreg:$0x4] =	wrdreg $0x9  }
0xb1: {  	_ =	task.clear_ibuf [dreg:s6], $0x5FFFF;
	_ =	strace $0x9000004C  }
0xb2: {  	s29 =	simm.s32 $0x9;
	_ =	strace $0x8000004E  }
0xb3: {  	_ =	swait.ge [sflag:s29], $0x1  }
0xb4: {  	[sflag:s29] =	ssyncadd.s32 $0xFFFFFFFF  }
0xb5: {  	_ =	strace $0x9000004E  }
0xb6: {  	_ =	sfence  }
0xb7: {  	s30 =	sld [smem:$0x0];
	_ =	sdelay $0x2  }
0xb8: {  	s31 =	sshll.u32 s1, $0xD;
	s1 =	sshrl.u32 s1, $0x2  }
0xb9: {  	s3 =	sand.u32 $0x4000, s31;
	s1 =	sadd.s32 s1, s30  }
0xba: {  	s0 =	sor.u32 s3, s0;
	s1 =	sshll.u32 s1, $0x11  }
0xbb: {  	s0 =	sor.u32 s1, s0  }
0xbc: {  	s0 =	sadd.s32 $0x8F2B, s0  }
0xbd: {  	[sflag:s0] =	ssyncadd.remote.s32 $0x1  }
0xbe: {  	_ =	sfence.sel $0xFFFF  }
0xbf: {  	[dreg:$0x0] =	wrdreg $0xFFFFFFFF;
	(pc) =	sbr.abs _section_cstart, $3  }
0xc0: {  	[dreg:$0x1] =	wrdreg $0xFFFFFFFF  }
0xc1: {  	_ =	task.clear_ibuf [dreg:s6], $0x2FFFF;
	_ =	strace $0x9FFFFFFF  }
0xc2: {  	(tm) =	ssettm $0x7FFFFFFF  }
0xc3: {  	_ =	shalt  }
tec
execute0_lowered:
.L_overlay_start_1:
0x0: {  	(tag) =	ssettag $0x1  }
0x1: {  	s6 =	rddreg [dreg:$0x0]  }
0x2: {  	s0 =	srdreg.scid;
	s2 =	rddreg [dreg:$0x1];
	s3 =	simm.s32 $0x0  }
0x3: {  	s14 =	simm.s32 $0x5000;
	s15 =	simm.s32 $0x1;
	s5 =	sand.u32 $0x1, s0  }
0x4: {  	s16 =	simm.s32 $0x2800;
	s0 =	stileid.u32;
	s8 =	smul.u32 $0x140000, s5  }
0x5: {  	s17 =	simm.s32 $0x80;
	[smem:$0x7FF] =	sst s3;
	s9 =	smul.u32 $0x14000, s0  }
0x6: {  	s4 =	sadd.s32 $0x22000, s6;
	s1 =	sshll.u32 s5, $0x4;
	s10 =	smul.u32 $0x50000, s0  }
0x7: {  	s5 =	ssub.s32 $0x2, s5;
	s18 =	sshll.u32 s0, $0x6;
	s1 =	sor.u32 s0, s1  }
0x8: {  	s30 =	sshrl.u32 s5, $0x1;
	s18 =	sor.u32 $0x1C01, s18;
	s7 =	smul.u32 $0x500, s1  }
0x9: {  	s1 =	rddreg [dreg:$0x2];
	_ =	strace $0x8000004D;
	s31 =	sshrl.u32 s10, $0x2  }
0xa: {  	s29 =	sadd.s32 s9, s8;
	s13 =	ssub.s32 s5, s30;
	s5 =	sadd.s32 s31, s2  }
0xb: {  	s13 =	smax.u32 s13, $0x1;
	s11 =	sadd.s32 s7, s6;
	s7 =	sshrl.u32 s29, $0x3  }
0xc: {  	s8 =	sadd.s32 $0xC000, s5;
	s9 =	sadd.s32 $0x10000, s5;
	s19 =	sshrl.u32 s5, $0x3  }
0xd: {  	s12 =	sadd.s32 s7, s6;
	s6 =	sadd.s32 $0x4000, s5;
	s7 =	sadd.s32 $0x8000, s5  }
0xe: {  	v0 =	vimm.f32 $0.0e+00;
	s10 =	sadd.s32 $0xE000, s11;
	s11 =	sadd.s32 $0x18000, s11;
	s12 =	sadd.s32 $0x4A000, s12  }
.LBB2_1:
0xf: {  	s20 =	simm.s32 $0x0;
	s21 =	simm.s32 $0x200  }
.LBB2_2:
0x10: {  	p0 =	sne.s32 s21, $0xFE00;
	[tilespmem:s20+$0x5070] =	vst v0  }
0x11: {  	[tilespmem:s20+$0x5000] =	vst v0  }
0x12: {  	[tilespmem:s20+$0x5010] =	vst v0  }
.Ltmp0:
0x13: {  	[tilespmem:s20+$0x5020] =	vst v0;
	(pc) =	sbr.rel @p0 .LBB2_2-.Ltmp0, $4  }
0x14: {  	[tilespmem:s20+$0x5030] =	vst v0  }
0x15: {  	[tilespmem:s20+$0x5040] =	vst v0  }
0x16: {  	[tilespmem:s20+$0x5050] =	vst v0  }
0x17: {  	[tilespmem:s20+$0x5060] =	vst v0;
	s20 =	sshra.s32 s21, $0x2;
	s21 =	sadd.s32 $0x200, s21  }
0x18: {  	[tilespmem:s20+$0x5070] =	vst v0  }
0x19: {  	[tilespmem:s20+$0x5000] =	vst v0  }
0x1a: {  	[tilespmem:s20+$0x5010] =	vst v0  }
0x1b: {  	[tilespmem:s20+$0x5020] =	vst v0  }
0x1c: {  	[tilespmem:s20+$0x5030] =	vst v0  }
0x1d: {  	[tilespmem:s20+$0x5040] =	vst v0  }
0x1e: {  	[tilespmem:s20+$0x5050] =	vst v0  }
0x1f: {  	[tilespmem:s20+$0x5060] =	vst v0  }
0x20: {  	[spmem:s5] =	stream.linear.scatter [tilespmem:s14], [sflag:$0x1], $0x4000, $0x38;
	[tilespmem:$0x1D000] =	vst v63  }
0x21: {  	_ =	swait.ge [sflag:s15], $0x4000  }
0x22: {  	[sflag:s15] =	ssyncset.done $0x0  }
0x23: {  	[sflag:s15] =	ssyncadd.s32 $0xFFFFC000  }
0x24: {  	[spmem:s6] =	stream.linear.scatter [tilespmem:s14], [sflag:$0x1], $0x4000, $0x38;
	[tilespmem:$0x1D000] =	vst v63  }
0x25: {  	_ =	swait.ge [sflag:s15], $0x4000  }
0x26: {  	[sflag:s15] =	ssyncset.done $0x0  }
0x27: {  	[sflag:s15] =	ssyncadd.s32 $0xFFFFC000  }
0x28: {  	[spmem:s7] =	stream.linear.scatter [tilespmem:s14], [sflag:$0x1], $0x4000, $0x38;
	[tilespmem:$0x1D000] =	vst v63  }
0x29: {  	_ =	swait.ge [sflag:s15], $0x4000  }
0x2a: {  	[sflag:s15] =	ssyncset.done $0x0  }
0x2b: {  	[sflag:s15] =	ssyncadd.s32 $0xFFFFC000  }
0x2c: {  	[spmem:s8] =	stream.linear.scatter [tilespmem:s14], [sflag:$0x1], $0x4000, $0x38;
	[tilespmem:$0x1D000] =	vst v63  }
0x2d: {  	_ =	swait.ge [sflag:s15], $0x4000  }
0x2e: {  	[sflag:s15] =	ssyncset.done $0x0  }
0x2f: {  	[sflag:s15] =	ssyncadd.s32 $0xFFFFC000  }
0x30: {  	[spmem:s9] =	stream.linear.scatter [tilespmem:s14], [sflag:$0x1], $0x4000, $0x38;
	[tilespmem:$0x1D000] =	vst v63  }
0x31: {  	_ =	swait.ge [sflag:s15], $0x4000  }
0x32: {  	[sflag:s15] =	ssyncset.done $0x0  }
0x33: {  	s29 =	simm.s32 $0x0;
	[sflag:s15] =	ssyncadd.s32 $0xFFFFC000  }
0x34: {  	[tilespmem:s29], [sflag:$0x1] =	stream.linear.gather [hbm4b:s10+s29], $0x2800, $0x38;
	[tilespmem:$0x1D000] =	vst v63  }
0x35: {  	_ =	swait.ge [sflag:s15], $0x2800  }
0x36: {  	[sflag:s15] =	ssyncset.done $0x0  }
0x37: {  	[sflag:s15] =	ssyncadd.s32 $0xFFFFD800  }
0x38: {  	[tilespmem:s16], [sflag:$0x1] =	stream.linear.gather [hbm4b:s11+s29], $0x2800, $0x38;
	[tilespmem:$0x1D000] =	vst v63  }
0x39: {  	_ =	swait.ge [sflag:s15], $0x2800  }
0x3a: {  	[sflag:s15] =	ssyncset.done $0x0  }
0x3b: {  	[sflag:s15] =	ssyncadd.s32 $0xFFFFD800  }
0x3c: {  	s30 =	simm.s32 $0x0;
	[bflag:$0x0] =	sbarrier.arrive $0xFFFF  }
0x3d: {  	[tilespmem:s14], [sflag:$0x1] =	stream.indirect.gather [hbm4b:s4+s17], $0x80, s30, s17, $0xb8;
	[tilespmem:$0x1D000] =	vst v63  }
0x3e: {  	_ =	swait.ge [sflag:s15], $0x4000  }
0x3f: {  	[sflag:s15] =	ssyncset.done $0x0  }
0x40: {  	s31 =	simm.s32 $0x2800;
	[sflag:s15] =	ssyncadd.s32 $0xFFFFC000  }
0x41: {  	[spmem:s2] =	stream.indirect.scatter.add.f32 [tilespmem:s14], [sflag:$0x1], $0x80, s31, s17, $0xb8;
	[tilespmem:$0x1D000] =	vst v63  }
0x42: {  	_ =	swait.ge [sflag:s15], $0x4000  }
0x43: {  	s20 =	simm.s32 $0x200;
	s21 =	simm.s32 $0x400;
	[sflag:s15] =	ssyncset.done $0x0  }
.LBB2_4:
0x44: {  	s22 =	sshra.s32 s20, $0x2  }
0x45: {  	[sflag:s15] =	ssyncadd.s32 $0xFFFFC000;
	s20 =	smov.u32 s21;
	s23 =	sadd.s32 $0x200, s21  }
0x46: {  	[tilespmem:s14], [sflag:$0x1] =	stream.indirect.gather [hbm4b:s4+s17], $0x80, s22, s17, $0xb8;
	[tilespmem:$0x1D000] =	vst v63  }
0x47: {  	p0 =	sne.s32 s21, $0x9E00;
	_ =	swait.ge [sflag:s15], $0x4000  }
.Ltmp1:
0x48: {  	[sflag:s15] =	ssyncset.done $0x0;
	(pc) =	sbr.rel @p0 .LBB2_4-.Ltmp1, $4  }
0x49: {  	s21 =	sadd.s32 $0x2800, s22;
	[sflag:s15] =	ssyncadd.s32 $0xFFFFC000  }
0x4a: {  	[spmem:s2] =	stream.indirect.scatter.add.f32 [tilespmem:s14], [sflag:$0x1], $0x80, s21, s17, $0xb8;
	[tilespmem:$0x1D000] =	vst v63  }
0x4b: {  	_ =	swait.ge [sflag:s15], $0x4000  }
0x4c: {  	s21 =	smov.u32 s23;
	[sflag:s15] =	ssyncset.done $0x0  }
0x4d: {  	s20 =	sshra.s32 s20, $0x2;
	[sflag:s15] =	ssyncadd.s32 $0xFFFFC000  }
0x4e: {  	[tilespmem:s14], [sflag:$0x1] =	stream.indirect.gather [hbm4b:s4+s17], $0x80, s20, s17, $0xb8;
	[tilespmem:$0x1D000] =	vst v63  }
0x4f: {  	_ =	swait.ge [sflag:s15], $0x4000  }
0x50: {  	[sflag:s15] =	ssyncset.done $0x0  }
0x51: {  	s20 =	sadd.s32 $0x2800, s20;
	[sflag:s15] =	ssyncadd.s32 $0xFFFFC000  }
0x52: {  	[spmem:s2] =	stream.indirect.scatter.add.f32 [tilespmem:s14], [sflag:$0x1], $0x80, s20, s17, $0xb8;
	[tilespmem:$0x1D000] =	vst v63  }
0x53: {  	_ =	swait.ge [sflag:s15], $0x4000  }
0x54: {  	s3 =	sadd.s32 $0x1, s3;
	[sflag:s15] =	ssyncset.done $0x0  }
0x55: {  	p0 =	sne.s32 s3, s13;
	[sflag:s15] =	ssyncadd.s32 $0xFFFFC000  }
.Ltmp2:
0x56: {  	[bflag:$0x0] =	sbarrier.arrive $0xFFFF;
	(pc) =	sbr.rel @p0 .LBB2_1-.Ltmp2, $4  }
0x57: {  	[hbm:s12], [sflag:s18] =	dma.local [spmem:s19], $0x2800  }
0x58: {  	_ =	swait.ge [sflag:s15], $0x2800  }
0x59: {  	[sflag:s15] =	ssyncset.done $0x0  }
0x5a: {  	[sflag:s15] =	ssyncadd.s32 $0xFFFFD800  }
0x5b: {  	_ =	sfence.sel $0x180000  }
0x5c: {  	[bflag:$0x0] =	sbarrier.arrive $0xFFFF  }
0x5d: {  	p0 =	sne.s32 s0, $0x0;
	_ =	strace $0x9000004D  }
0x5e: {  	s0 =	sadd.s32 @!p0 $0x100000, s1;
	[bflag:$0x2] =	sbarrier.arrive $0xFFFF  }
0x5f: {  	[sflag:s0] =	ssyncadd.tile.s32 @!p0 $0x1;
	_ =	shalt  }
.Lfunc_end2:
_tile_overlayer_lowered:
.L_overlay_start_2:
0x60: {  	(tag) =	ssettag $0x2  }
0x61: {  	s0 =	rddreg [dreg:$0x0];
	s2 =	stileid.u32  }
0x62: {  	s1 =	rddreg [dreg:$0x1];
	p0 =	sne.s32 s2, $0x0  }
0x63: {  	s3 =	rddreg [dreg:$0x2];
	[bflag:$0x3] =	sbarrier.arrive $0xFFFF;
	s2 =	simm.s32 @!p0 $0x1C01  }
0x64: {  	[timem:s3], [sflag:s2] =	dma.local @!p0 [hbm:s0], s1  }
0x65: {  	s0 =	simm.s32 @!p0 $0x1  }
0x66: {  	_ =	swait.ge @!p0 [sflag:s0], s1  }
0x67: {  	s1 =	ssub.s32 @!p0 $0x0, s1;
	[sflag:s0] =	ssyncset.done @!p0 $0x0  }
0x68: {  	[sflag:s0] =	ssyncadd.s32 @!p0 s1  }
0x69: {  	[bflag:$0x3] =	sbarrier.arrive $0xFFFF  }
0x6a: {  	_ =	shalt  }

// kernel: kernel.19.cloned.1.call-start
scs
__scs_entry_jumppad:
0x0: {  	(pc) =	sbr.rel $0x88, $3  }
0x1: {  	(tag) =	ssettag $0x0;
	lr =	simm.s32 $0x1  }
0x2: {  	[smem:$0x3F91] =	sst lr;
	_ =	strace $0xD0000000  }
0x3: {  	_ = 	snop  }
0x4: {  	_ = 	snop  }
0x5: {  	_ = 	snop  }
0x6: {  	_ = 	snop  }
0x7: {  	_ = 	snop  }
__scs_overlays_trampoline_lowered:
0x8: {  	[smem:$0x3FA0] =	sst s0  }
0x9: {  	[smem:$0x3FA1] =	sst s1  }
0xa: {  	[smem:$0x3FA2] =	sst s2  }
0xb: {  	[smem:$0x3FA3] =	sst s3  }
0xc: {  	[smem:$0x3FA4] =	sst s4  }
0xd: {  	[smem:$0x3FA5] =	sst s5  }
0xe: {  	[smem:$0x3FA6] =	sst s6  }
0xf: {  	[smem:$0x3FA7] =	sst s7  }
0x10: {  	[smem:$0x3FA8] =	sst s8  }
0x11: {  	[smem:$0x3FA9] =	sst s9;
	s0 =	simm.s32 @!p0 $0x0  }
0x12: {  	s1 =	sld [smem:$0x3F8F];
	s0 =	simm.s32 @p0 $0x1  }
0x13: {  	[smem:$0x3FAA] =	sst s0;
	s0 =	simm.s32 @!p1 $0x0  }
0x14: {  	s2 =	sld [smem:$0x3F8E];
	s0 =	simm.s32 @p1 $0x1  }
0x15: {  	[smem:$0x3FAB] =	sst s0;
	s0 =	simm.s32 @!p2 $0x0  }
0x16: {  	s3 =	sld [smem:$0x3FDB];
	s0 =	simm.s32 @p2 $0x1  }
0x17: {  	s4 =	simm.s32 $0x1BF5;
	[smem:$0x3FAD] =	sst s0  }
0x18: {  	s0 =	sld [smem:$0x3F90];
	_ =	swait.ge [sflag:s4], $0x0  }
0x19: {  	s7 =	sld [smem:$0x3F91]  }
0x1a: {  	s8 =	sadd.s32 $0xFFFFE003, lr  }
0x1b: {  	s9 =	sadd.s32 $0xFFFFFEF7, lr;
	s5 =	simm.s32 $0xFFFFFFFF;
	p2 =	slt.u32 s8, $0xFFFFF086  }
0x1c: {  	p1 =	slt.u32 s9, $0xF7A;
	s5 =	simm.s32 @!p2 $0x0  }
0x1d: {  	s5 =	simm.s32 @p1 $0x1;
	p0 =	seq.s32 s7, s2  }
0x1e: {  	s7 =	smul.u32 @!p0 $0xF7A, s2;
	p2 =	seq.s32 @!p0 s5, $0x0  }
0x1f: {  	s9 =	smul.u32 $0xF7A, s1;
	s8 =	simm.s32 @!p0 $0x1BF5;
	p2 =	por !p2, p0  }
0x20: {  	[sflag:s8] =	ssyncset.s32 @!p0 $0xFFFFF086;
	s6 =	sadd.s32 @!p0 s3, s7;
	s7 =	simm.s32 @!p0 $0x108  }
0x21: {  	s3 =	sadd.s32 s3, s9;
	s6 =	sadd.s32 @!p0 $0x88, s6;
	s7 =	simm.s32 @p2 $0x1082  }
0x22: {  	[simem:s7], [sflag:s8] =	dma.local @!p0 [hbm:s6], $0xF7A  }
0x23: {  	s9 =	sor.u32 $0xD0000000, s2;
	s6 =	simm.s32 $0x108;
	_ =	swait.ge @!p0 [sflag:s8], $0x0  }
0x24: {  	s3 =	sadd.s32 $0x88, s3;
	s6 =	simm.s32 @!p1 $0x1082;
	[sflag:s4] =	ssyncset.s32 $0xFFFFF086  }
0x25: {  	[simem:s6], [sflag:s4] =	dma.local [hbm:s3], $0xF7A  }
0x26: {  	[smem:$0x3F91] =	sst s1;
	(tag) =	ssettag s2;
	_ =	strace s9  }
0x27: {  	s1 =	sld [smem:$0x3FA1]  }
0x28: {  	s2 =	sld [smem:$0x3FA2]  }
0x29: {  	s4 =	sld [smem:$0x3FA4]  }
0x2a: {  	p0 =	seq.s32 s5, $0x0;
	s5 =	sld [smem:$0x3FA5]  }
0x2b: {  	s6 =	sld [smem:$0x3FA6]  }
0x2c: {  	s7 =	sld [smem:$0x3FA7]  }
0x2d: {  	s3 =	simm.s32 $0x108;
	s8 =	sld [smem:$0x3FA8]  }
0x2e: {  	s3 =	simm.s32 @!p0 $0x1082;
	s9 =	sld [smem:$0x3FA9]  }
0x2f: {  	lr =	sadd.s32 s0, s3;
	s0 =	sld [smem:$0x3FA0]  }
0x30: {  	s3 =	sld [smem:$0x3FA3]  }
0x31: {  	[smem:$0x3FAC] =	sst s10  }
0x32: {  	s10 =	sld [smem:$0x3FAA];
	_ =	sdelay $0x3  }
0x33: {  	p0 =	seq.s32 s10, $0x1;
	s10 =	sld [smem:$0x3FAC];
	_ =	sdelay $0x3  }
0x34: {  	[smem:$0x3FAC] =	sst s10  }
0x35: {  	s10 =	sld [smem:$0x3FAB];
	_ =	sdelay $0x3  }
0x36: {  	p1 =	seq.s32 s10, $0x1;
	s10 =	sld [smem:$0x3FAC];
	_ =	sdelay $0x3  }
0x37: {  	[smem:$0x3FAC] =	sst s10  }
0x38: {  	s10 =	sld [smem:$0x3FAD]  }
0x39: {  	_ = 	snop;
	(pc) =	sbr.ind lr, $3  }
0x3a: {  	_ = 	snop  }
0x3b: {  	_ = 	snop  }
0x3c: {  	p2 =	seq.s32 s10, $0x1;
	s10 =	sld [smem:$0x3FAC]  }
0x3d: {  	_ =	shalt  }
0x3e: {  	_ =	shalt  }
0x3f: {  	_ =	shalt  }
0x40: {  	_ =	shalt  }
0x41: {  	_ =	shalt  }
0x42: {  	_ =	shalt  }
0x43: {  	_ =	shalt  }
0x44: {  	_ =	shalt  }
0x45: {  	_ =	shalt  }
0x46: {  	_ =	shalt  }
0x47: {  	_ =	shalt  }
0x48: {  	_ =	shalt  }
0x49: {  	_ =	shalt  }
0x4a: {  	_ =	shalt  }
0x4b: {  	_ =	shalt  }
0x4c: {  	_ =	shalt  }
0x4d: {  	_ =	shalt  }
0x4e: {  	_ =	shalt  }
0x4f: {  	_ =	shalt  }
0x50: {  	_ =	shalt  }
0x51: {  	_ =	shalt  }
0x52: {  	_ =	shalt  }
0x53: {  	_ =	shalt  }
0x54: {  	_ =	shalt  }
0x55: {  	_ =	shalt  }
0x56: {  	_ =	shalt  }
0x57: {  	_ =	shalt  }
0x58: {  	_ =	shalt  }
0x59: {  	_ =	shalt  }
0x5a: {  	_ =	shalt  }
0x5b: {  	_ =	shalt  }
0x5c: {  	_ =	shalt  }
0x5d: {  	_ =	shalt  }
0x5e: {  	_ =	shalt  }
0x5f: {  	_ =	shalt  }
0x60: {  	_ =	shalt  }
0x61: {  	_ =	shalt  }
0x62: {  	_ =	shalt  }
0x63: {  	_ =	shalt  }
0x64: {  	_ =	shalt  }
0x65: {  	_ =	shalt  }
0x66: {  	_ =	shalt  }
0x67: {  	_ =	shalt  }
0x68: {  	_ =	shalt  }
0x69: {  	_ =	shalt  }
0x6a: {  	_ =	shalt  }
0x6b: {  	_ =	shalt  }
0x6c: {  	_ =	shalt  }
0x6d: {  	_ =	shalt  }
0x6e: {  	_ =	shalt  }
0x6f: {  	_ =	shalt  }
0x70: {  	_ =	shalt  }
0x71: {  	_ =	shalt  }
0x72: {  	_ =	shalt  }
0x73: {  	_ =	shalt  }
0x74: {  	_ =	shalt  }
0x75: {  	_ =	shalt  }
0x76: {  	_ =	shalt  }
0x77: {  	_ =	shalt  }
0x78: {  	_ =	shalt  }
0x79: {  	_ =	shalt  }
0x7a: {  	_ =	shalt  }
0x7b: {  	_ =	shalt  }
0x7c: {  	_ =	shalt  }
0x7d: {  	_ =	shalt  }
0x7e: {  	_ =	shalt  }
0x7f: {  	_ =	shalt  }
0x80: {  	_ =	shalt  }
0x81: {  	_ =	shalt  }
0x82: {  	_ =	shalt  }
0x83: {  	_ =	shalt  }
0x84: {  	_ =	shalt  }
0x85: {  	_ =	shalt  }
0x86: {  	_ =	shalt  }
0x87: {  	_ =	shalt  }
.Lfunc_end0:
.L_simem_size_0:
called_computation.3_lowered:
.L_overlay_start_0:
0x88: {  	s2 =	sld [smem:$0x3FD9]  }
0x89: {  	s3 =	sld [smem:$0x3FFE];
	_ =	sdelay $0x1  }
0x8a: {  	s1 =	srdreg.scid  }
0x8b: {  	s0 =	sand.u32 $0x1, s1  }
0x8c: {  	s17 =	sshll.u32 s0, $0xA;
	s2 =	sadd.s32 s3, s2  }
0x8d: {  	s2 =	sadd.s32 s2, s17  }
0x8e: {  	[smem:$0x3FB8] =	sst s2  }
0x8f: {  	_ = 	snop  }
0x90: {  	s2 =	sld [smem:$0x3FD0];
	(tm) =	ssettm $0x1  }
0x91: {  	s18 =	sld [smem:$0x3FFB];
	_ =	sdelay $0x3  }
0x92: {  	_ =	strace s18  }
0x93: {  	s3 =	sld [smem:$0x3FFC];
	_ =	sdelay $0x3  }
0x94: {  	_ =	strace s3  }
0x95: {  	s3 =	sld [smem:$0x3FFD];
	_ =	sdelay $0x3  }
0x96: {  	_ =	strace s3  }
0x97: {  	_ =	strace $0x8FFFFFFF  }
0x98: {  	s19 =	sld [smem:$0x3FDB];
	_ =	sdelay $0x1  }
0x99: {  	s4 =	simm.s32 $_scs_section_size  }
0x9a: {  	s5 =	simm.s32 $_size__tile_overlayer_lowered;
	s6 =	simm.s32 $_tile_overlayer_lowered  }
0x9b: {  	s22 =	simm.s32 $0x1BFF;
	s21 =	sshll.u32 s6, $0x1;
	s3 =	sadd.s32 s4, s19  }
0x9c: {  	s7 =	simm.s32 $0x0;
	s20 =	sshll.u32 s5, $0x1;
	s5 =	sadd.s32 s21, s3  }
0x9d: {  	[timem:s7], [sflag:s22] =	dma.local [hbm:s5], s20  }
0x9e: {  	_ =	swait.ge [sflag:s22], s20  }
0x9f: {  	s4 =	ssub.s32 $0x0, s20;
	[sflag:s22] =	ssyncset.done $0x0  }
0xa0: {  	[sflag:s22] =	ssyncadd.s32 s4;
	_ =	sdelay $0x1  }
0xa1: {  	s23 =	simm.s32 $0x1B8B  }
0xa2: {  	_ =	swait.ge [sflag:s23], $0x1  }
0xa3: {  	[sflag:s23] =	ssyncset.done $0x0  }
0xa4: {  	s25 =	simm.s32 $0x1B8E;
	s24 =	sld [smem:$0x3FFE];
	[sflag:s23] =	ssyncadd.s32 $0xFFFFFFFF  }
0xa5: {  	s26 =	simm.s32 $execute0_lowered;
	[smem:$0x3FD2] =	sst s25  }
0xa6: {  	s5 =	sshll.u32 s26, $0x1;
	_ =	strace $0x8000004F;
	[dreg:$0x1] =	wrdreg $0xFFFFFFFF  }
0xa7: {  	s28 =	simm.s32 $_size_execute0_lowered;
	s3 =	sadd.s32 s3, s5;
	[dreg:$0x0] =	wrdreg $0x0  }
0xa8: {  	s5 =	sshll.u32 s28, $0x1;
	[dreg:$0x2] =	wrdreg s3  }
0xa9: {  	[dreg:$0x3] =	wrdreg s5  }
0xaa: {  	[dreg:$0x4] =	wrdreg $0xC0  }
0xab: {  	_ =	task [dreg:s7], $0x5FFFF  }
0xac: {  	[dreg:$0x1] =	wrdreg $0xFFFFFFFF  }
0xad: {  	[dreg:$0x0] =	wrdreg $0x60  }
0xae: {  	[dreg:$0x2] =	wrdreg s24  }
0xaf: {  	[dreg:$0x3] =	wrdreg s2  }
0xb0: {  	[dreg:$0x4] =	wrdreg $0x48000  }
0xb1: {  	[dreg:$0x5] =	wrdreg $0x9  }
0xb2: {  	_ =	task.clear_ibuf [dreg:s7], $0x6FFFF;
	_ =	strace $0x9000004F  }
0xb3: {  	s29 =	simm.s32 $0x9;
	_ =	strace $0x80000051  }
0xb4: {  	_ =	swait.ge [sflag:s29], $0x1  }
0xb5: {  	[sflag:s29] =	ssyncadd.s32 $0xFFFFFFFF  }
0xb6: {  	_ =	strace $0x90000051  }
0xb7: {  	_ =	sfence  }
0xb8: {  	s30 =	sld [smem:$0x0];
	_ =	sdelay $0x2  }
0xb9: {  	s31 =	sshll.u32 s1, $0xD;
	s1 =	sshrl.u32 s1, $0x2  }
0xba: {  	s3 =	sand.u32 $0x4000, s31;
	s1 =	sadd.s32 s1, s30  }
0xbb: {  	s0 =	sor.u32 s3, s0;
	s1 =	sshll.u32 s1, $0x11  }
0xbc: {  	s0 =	sor.u32 s1, s0  }
0xbd: {  	s0 =	sadd.s32 $0x8F2B, s0  }
0xbe: {  	[sflag:s0] =	ssyncadd.remote.s32 $0x1  }
0xbf: {  	_ =	sfence.sel $0xFFFF  }
0xc0: {  	[dreg:$0x0] =	wrdreg $0xFFFFFFFF;
	(pc) =	sbr.abs _section_cstart, $3  }
0xc1: {  	[dreg:$0x1] =	wrdreg $0xFFFFFFFF  }
0xc2: {  	_ =	task.clear_ibuf [dreg:s7], $0x2FFFF;
	_ =	strace $0x9FFFFFFF  }
0xc3: {  	(tm) =	ssettm $0x7FFFFFFF  }
tec
execute0_lowered:
.L_overlay_start_1:
0x0: {  	(tag) =	ssettag $0x1  }
0x1: {  	s4 =	rddreg [dreg:$0x0]  }
0x2: {  	s0 =	srdreg.scid;
	s6 =	rddreg [dreg:$0x1]  }
0x3: {  	s2 =	rddreg [dreg:$0x2];
	s3 =	simm.s32 $0x0;
	s14 =	simm.s32 $0x800  }
0x4: {  	s15 =	simm.s32 $0x1;
	s16 =	simm.s32 $0x40;
	s17 =	simm.s32 $0x280  }
0x5: {  	s18 =	simm.s32 $0x2800;
	s19 =	simm.s32 $0x80;
	s20 =	simm.s32 $0x300  }
0x6: {  	s21 =	simm.s32 $0x100;
	s22 =	simm.s32 $0x380;
	s23 =	simm.s32 $0x180  }
0x7: {  	s24 =	simm.s32 $0x400;
	s25 =	simm.s32 $0x200;
	s28 =	simm.s32 $0x0  }
0x8: {  	s5 =	sand.u32 $0x1, s0;
	s0 =	stileid.u32;
	[smem:$0x7FF] =	sst s3  }
0x9: {  	s1 =	sshll.u32 s5, $0x4;
	s9 =	ssub.s32 $0x2, s5;
	s26 =	sshll.u32 s0, $0xB  }
0xa: {  	s29 =	sshll.u32 s0, $0xE;
	s30 =	sshll.u32 s5, $0xF;
	s7 =	sor.u32 s0, s1  }
0xb: {  	s1 =	rddreg [dreg:$0x3];
	s10 =	sshrl.u32 s9, $0x1;
	s8 =	smul.u32 $0xA000, s7  }
0xc: {  	_ =	strace $0x80000050;
	s9 =	ssub.s32 s9, s10;
	s7 =	sshll.u32 s7, $0x8  }
0xd: {  	s6 =	sadd.s32 s6, s7;
	s9 =	smax.u32 s9, $0x1;
	s8 =	sshrl.u32 s8, $0x3  }
0xe: {  	s13 =	sadd.s32 s8, s4;
	s8 =	sadd.s32 s26, s4;
	s4 =	sadd.s32 s29, s2  }
0xf: {  	s26 =	simm.s32 $0x480;
	s5 =	sadd.s32 $0x2000, s4;
	s31 =	sadd.s32 s30, s8  }
0x10: {  	s8 =	sadd.s32 $0x4000, s13;
	s10 =	sadd.s32 $0x4400, s13;
	s11 =	sadd.s32 $0x4800, s13  }
0x11: {  	v0 =	vimm.f32 $0.0e+00;
	v1 =	vimm.f32 $1.000000000e+00;
	s12 =	sadd.s32 $0x4C00, s13;
	s13 =	sadd.s32 $0x5000, s13;
	s7 =	sadd.s32 $0x2C000, s31  }
.LBB2_1:
0x12: {  	s29 =	simm.s32 $0x0;
	s30 =	simm.s32 $0x200  }
.LBB2_2:
0x13: {  	p0 =	sne.s32 s30, $0x7E00;
	[tilespmem:s29+$0x870] =	vst v0  }
0x14: {  	[tilespmem:s29+$0x800] =	vst v0  }
0x15: {  	[tilespmem:s29+$0x810] =	vst v0  }
.Ltmp0:
0x16: {  	[tilespmem:s29+$0x820] =	vst v0;
	(pc) =	sbr.rel @p0 .LBB2_2-.Ltmp0, $4  }
0x17: {  	[tilespmem:s29+$0x830] =	vst v0  }
0x18: {  	[tilespmem:s29+$0x840] =	vst v0  }
0x19: {  	[tilespmem:s29+$0x850] =	vst v0  }
0x1a: {  	[tilespmem:s29+$0x860] =	vst v0;
	s29 =	sshra.s32 s30, $0x2;
	s30 =	sadd.s32 $0x200, s30  }
0x1b: {  	[tilespmem:s29+$0x870] =	vst v0  }
0x1c: {  	[tilespmem:s29+$0x800] =	vst v0  }
0x1d: {  	[tilespmem:s29+$0x810] =	vst v0  }
0x1e: {  	[tilespmem:s29+$0x820] =	vst v0  }
0x1f: {  	[tilespmem:s29+$0x830] =	vst v0  }
0x20: {  	[tilespmem:s29+$0x840] =	vst v0  }
0x21: {  	[tilespmem:s29+$0x850] =	vst v0  }
0x22: {  	[tilespmem:s29+$0x860] =	vst v0;
	s29 =	simm.s32 $0x0;
	s30 =	simm.s32 $0x200  }
.LBB2_4:
0x23: {  	p0 =	sne.s32 s30, $0x7E00;
	[tilespmem:s29+$0x2870] =	vst v1  }
0x24: {  	[tilespmem:s29+$0x2800] =	vst v1  }
0x25: {  	[tilespmem:s29+$0x2810] =	vst v1  }
.Ltmp1:
0x26: {  	[tilespmem:s29+$0x2820] =	vst v1;
	(pc) =	sbr.rel @p0 .LBB2_4-.Ltmp1, $4  }
0x27: {  	[tilespmem:s29+$0x2830] =	vst v1  }
0x28: {  	[tilespmem:s29+$0x2840] =	vst v1  }
0x29: {  	[tilespmem:s29+$0x2850] =	vst v1  }
0x2a: {  	[tilespmem:s29+$0x2860] =	vst v1;
	s29 =	sshra.s32 s30, $0x2;
	s30 =	sadd.s32 $0x200, s30  }
0x2b: {  	[tilespmem:s29+$0x2870] =	vst v1  }
0x2c: {  	[tilespmem:s29+$0x2800] =	vst v1  }
0x2d: {  	[tilespmem:s29+$0x2810] =	vst v1  }
0x2e: {  	[tilespmem:s29+$0x2820] =	vst v1  }
0x2f: {  	[tilespmem:s29+$0x2830] =	vst v1  }
0x30: {  	[tilespmem:s29+$0x2840] =	vst v1  }
0x31: {  	[tilespmem:s29+$0x2850] =	vst v1  }
0x32: {  	[tilespmem:s29+$0x2860] =	vst v1  }
0x33: {  	[spmem:s4] =	stream.linear.scatter [tilespmem:s14], [sflag:$0x1], $0x2000, $0x38;
	[tilespmem:$0x8800] =	vst v63  }
0x34: {  	_ =	swait.ge [sflag:s15], $0x2000  }
0x35: {  	[sflag:s15] =	ssyncset.done $0x0  }
0x36: {  	[sflag:s15] =	ssyncadd.s32 $0xFFFFE000  }
0x37: {  	[spmem:s5] =	stream.linear.scatter [tilespmem:s14], [sflag:$0x1], $0x2000, $0x38;
	[tilespmem:$0x8800] =	vst v63  }
0x38: {  	_ =	swait.ge [sflag:s15], $0x2000  }
0x39: {  	[sflag:s15] =	ssyncset.done $0x0  }
0x3a: {  	[sflag:s15] =	ssyncadd.s32 $0xFFFFE000  }
0x3b: {  	[tilespmem:s3], [sflag:$0x1] =	stream.linear.gather [hbm4b:s6+s3], $0x500, $0x38;
	[tilespmem:$0x8800] =	vst v63  }
0x3c: {  	_ =	swait.ge [sflag:s15], $0x500  }
0x3d: {  	[sflag:s15] =	ssyncset.done $0x0  }
0x3e: {  	[sflag:s15] =	ssyncadd.s32 $0xFFFFFB00  }
0x3f: {  	[bflag:$0x0] =	sbarrier.arrive $0xFFFF  }
0x40: {  	[tilespmem:s14], [sflag:$0x1] =	stream.linear.gather [hbm4b:s8+s3], $0x2000, $0x38;
	[tilespmem:$0x8800] =	vst v63  }
0x41: {  	_ =	swait.ge [sflag:s15], $0x2000  }
0x42: {  	[sflag:s15] =	ssyncset.done $0x0  }
0x43: {  	[sflag:s15] =	ssyncadd.s32 $0xFFFFE000  }
0x44: {  	[spmem:s2] =	stream.indirect.scatter.add.f32 [tilespmem:s14], [sflag:$0x1], $0x80, s3, s16, $0xb8;
	[tilespmem:$0x8800] =	vst v63  }
0x45: {  	_ =	swait.ge [sflag:s15], $0x2000  }
0x46: {  	[sflag:s15] =	ssyncset.done $0x0  }
0x47: {  	[sflag:s15] =	ssyncadd.s32 $0xFFFFE000  }
0x48: {  	[spmem:s2] =	stream.indirect.scatter.add.f32 [tilespmem:s18], [sflag:$0x1], $0x80, s17, s16, $0xb8;
	[tilespmem:$0x8800] =	vst v63  }
0x49: {  	_ =	swait.ge [sflag:s15], $0x2000  }
0x4a: {  	[sflag:s15] =	ssyncset.done $0x0  }
0x4b: {  	[sflag:s15] =	ssyncadd.s32 $0xFFFFE000  }
0x4c: {  	[tilespmem:s14], [sflag:$0x1] =	stream.linear.gather [hbm4b:s10+s3], $0x2000, $0x38;
	[tilespmem:$0x8800] =	vst v63  }
0x4d: {  	_ =	swait.ge [sflag:s15], $0x2000  }
0x4e: {  	[sflag:s15] =	ssyncset.done $0x0  }
0x4f: {  	[sflag:s15] =	ssyncadd.s32 $0xFFFFE000  }
0x50: {  	[spmem:s2] =	stream.indirect.scatter.add.f32 [tilespmem:s14], [sflag:$0x1], $0x80, s19, s16, $0xb8;
	[tilespmem:$0x8800] =	vst v63  }
0x51: {  	_ =	swait.ge [sflag:s15], $0x2000  }
0x52: {  	[sflag:s15] =	ssyncset.done $0x0  }
0x53: {  	[sflag:s15] =	ssyncadd.s32 $0xFFFFE000  }
0x54: {  	[spmem:s2] =	stream.indirect.scatter.add.f32 [tilespmem:s18], [sflag:$0x1], $0x80, s20, s16, $0xb8;
	[tilespmem:$0x8800] =	vst v63  }
0x55: {  	_ =	swait.ge [sflag:s15], $0x2000  }
0x56: {  	[sflag:s15] =	ssyncset.done $0x0  }
0x57: {  	[sflag:s15] =	ssyncadd.s32 $0xFFFFE000  }
0x58: {  	[tilespmem:s14], [sflag:$0x1] =	stream.linear.gather [hbm4b:s11+s3], $0x2000, $0x38;
	[tilespmem:$0x8800] =	vst v63  }
0x59: {  	_ =	swait.ge [sflag:s15], $0x2000  }
0x5a: {  	[sflag:s15] =	ssyncset.done $0x0  }
0x5b: {  	[sflag:s15] =	ssyncadd.s32 $0xFFFFE000  }
0x5c: {  	[spmem:s2] =	stream.indirect.scatter.add.f32 [tilespmem:s14], [sflag:$0x1], $0x80, s21, s16, $0xb8;
	[tilespmem:$0x8800] =	vst v63  }
0x5d: {  	_ =	swait.ge [sflag:s15], $0x2000  }
0x5e: {  	[sflag:s15] =	ssyncset.done $0x0  }
0x5f: {  	[sflag:s15] =	ssyncadd.s32 $0xFFFFE000  }
0x60: {  	[spmem:s2] =	stream.indirect.scatter.add.f32 [tilespmem:s18], [sflag:$0x1], $0x80, s22, s16, $0xb8;
	[tilespmem:$0x8800] =	vst v63  }
0x61: {  	_ =	swait.ge [sflag:s15], $0x2000  }
0x62: {  	[sflag:s15] =	ssyncset.done $0x0  }
0x63: {  	[sflag:s15] =	ssyncadd.s32 $0xFFFFE000  }
0x64: {  	[tilespmem:s14], [sflag:$0x1] =	stream.linear.gather [hbm4b:s12+s3], $0x2000, $0x38;
	[tilespmem:$0x8800] =	vst v63  }
0x65: {  	_ =	swait.ge [sflag:s15], $0x2000  }
0x66: {  	[sflag:s15] =	ssyncset.done $0x0  }
0x67: {  	[sflag:s15] =	ssyncadd.s32 $0xFFFFE000  }
0x68: {  	[spmem:s2] =	stream.indirect.scatter.add.f32 [tilespmem:s14], [sflag:$0x1], $0x80, s23, s16, $0xb8;
	[tilespmem:$0x8800] =	vst v63  }
0x69: {  	_ =	swait.ge [sflag:s15], $0x2000  }
0x6a: {  	[sflag:s15] =	ssyncset.done $0x0  }
0x6b: {  	[sflag:s15] =	ssyncadd.s32 $0xFFFFE000  }
0x6c: {  	[spmem:s2] =	stream.indirect.scatter.add.f32 [tilespmem:s18], [sflag:$0x1], $0x80, s24, s16, $0xb8;
	[tilespmem:$0x8800] =	vst v63  }
0x6d: {  	_ =	swait.ge [sflag:s15], $0x2000  }
0x6e: {  	[sflag:s15] =	ssyncset.done $0x0  }
0x6f: {  	[sflag:s15] =	ssyncadd.s32 $0xFFFFE000  }
0x70: {  	[tilespmem:s14], [sflag:$0x1] =	stream.linear.gather [hbm4b:s13+s3], $0x2000, $0x38;
	[tilespmem:$0x8800] =	vst v63  }
0x71: {  	_ =	swait.ge [sflag:s15], $0x2000  }
0x72: {  	[sflag:s15] =	ssyncset.done $0x0  }
0x73: {  	[sflag:s15] =	ssyncadd.s32 $0xFFFFE000  }
0x74: {  	[spmem:s2] =	stream.indirect.scatter.add.f32 [tilespmem:s14], [sflag:$0x1], $0x80, s25, s16, $0xb8;
	[tilespmem:$0x8800] =	vst v63  }
0x75: {  	_ =	swait.ge [sflag:s15], $0x2000  }
0x76: {  	[sflag:s15] =	ssyncset.done $0x0  }
0x77: {  	[sflag:s15] =	ssyncadd.s32 $0xFFFFE000  }
0x78: {  	[spmem:s2] =	stream.indirect.scatter.add.f32 [tilespmem:s18], [sflag:$0x1], $0x80, s26, s16, $0xb8;
	[tilespmem:$0x8800] =	vst v63  }
0x79: {  	_ =	swait.ge [sflag:s15], $0x2000  }
0x7a: {  	s31 =	sshll.u32 s0, $0x6;
	s28 =	sadd.s32 $0x1, s28;
	[sflag:s15] =	ssyncset.done $0x0  }
0x7b: {  	s30 =	sshrl.u32 s4, $0x3;
	p0 =	sne.s32 s28, s9;
	[sflag:s15] =	ssyncadd.s32 $0xFFFFE000  }
.Ltmp2:
0x7c: {  	s29 =	sor.u32 $0x1C01, s31;
	[bflag:$0x0] =	sbarrier.arrive $0xFFFF;
	(pc) =	sbr.rel @p0 .LBB2_1-.Ltmp2, $4  }
0x7d: {  	[hbm:s7], [sflag:s29] =	dma.local [spmem:s30], $0x800  }
0x7e: {  	_ =	swait.ge [sflag:s15], $0x800  }
0x7f: {  	[sflag:s15] =	ssyncset.done $0x0  }
0x80: {  	[sflag:s15] =	ssyncadd.s32 $0xFFFFF800  }
0x81: {  	_ =	sfence.sel $0x180000  }
0x82: {  	[bflag:$0x0] =	sbarrier.arrive $0xFFFF  }
0x83: {  	p0 =	sne.s32 s0, $0x0;
	_ =	strace $0x90000050  }
0x84: {  	s0 =	sadd.s32 @!p0 $0x100000, s1;
	[bflag:$0x2] =	sbarrier.arrive $0xFFFF  }
0x85: {  	[sflag:s0] =	ssyncadd.tile.s32 @!p0 $0x1;
	_ =	shalt  }
.Lfunc_end2:
_tile_overlayer_lowered:
.L_overlay_start_2:
0x86: {  	(tag) =	ssettag $0x2  }
0x87: {  	s0 =	rddreg [dreg:$0x0];
	s2 =	stileid.u32  }
0x88: {  	s1 =	rddreg [dreg:$0x1];
	p0 =	sne.s32 s2, $0x0  }
0x89: {  	s3 =	rddreg [dreg:$0x2];
	[bflag:$0x3] =	sbarrier.arrive $0xFFFF;
	s2 =	simm.s32 @!p0 $0x1C01  }
0x8a: {  	[timem:s3], [sflag:s2] =	dma.local @!p0 [hbm:s0], s1  }
0x8b: {  	s0 =	simm.s32 @!p0 $0x1  }
0x8c: {  	_ =	swait.ge @!p0 [sflag:s0], s1  }
0x8d: {  	s1 =	ssub.s32 @!p0 $0x0, s1;
	[sflag:s0] =	ssyncset.done @!p0 $0x0  }
0x8e: {  	[sflag:s0] =	ssyncadd.s32 @!p0 s1  }
0x8f: {  	[bflag:$0x3] =	sbarrier.arrive $0xFFFF  }
0x90: {  	_ =	shalt  }

</sc_bundles>
